<compile_context>
chip_gen: v7x
topology: tpu7x:2x2x1
jax: 0.10.2.dev20260603
libtpu: 0.0.44.dev20260713+nightly
codegen_flags: <defaults>
</compile_context>

<pallas_src>
import functools

import jax
import jax.numpy as jnp
from jax import lax
from jax.experimental import pallas as pl
from jax.experimental.pallas import tpu as pltpu
from jax.experimental.pallas import tpu_sc as plsc

N_NODES = 10000
D = 128
NC = 2
NS = 16
EDGE_B = 128
ROW_CH = 624
ROW_SPAN = 640
N_ACC = 10000
N_DEG = 10240
_ZCHUNK = 2560


def _make_deg(nb, nb_tot):
    mesh = plsc.VectorSubcoreMesh(core_axis_name="c", subcore_axis_name="s")

    @functools.partial(
        pl.kernel, mesh=mesh,
        out_type=jax.ShapeDtypeStruct((NC, N_DEG), jnp.float32),
        scratch_types=[
            pltpu.VMEM((nb, EDGE_B), jnp.int32),
            pltpu.VMEM((EDGE_B,), jnp.float32),
            pltpu.VMEM((_ZCHUNK,), jnp.float32),
            pltpu.VMEM_SHARED((N_DEG,), jnp.float32),
        ],
    )
    def deg_k(adj_hbm, deg_hbm, dbuf, ones_v, zbuf, deg_sh):
        cid = lax.axis_index("c")
        sid = lax.axis_index("s")
        for k in range(EDGE_B // 16):
            ones_v[pl.ds(k * 16, 16)] = jnp.ones((16,), jnp.float32)

        def zb(i, c):
            zbuf[pl.ds(i * 16, 16)] = jnp.zeros((16,), jnp.float32)
            return c
        lax.fori_loop(0, _ZCHUNK // 16, zb, 0)

        @pl.when(sid == 0)
        def _():
            def zcopy(k, c):
                pltpu.sync_copy(zbuf, deg_sh.at[pl.ds(k * _ZCHUNK, _ZCHUNK)])
                return c
            lax.fori_loop(0, N_DEG // _ZCHUNK, zcopy, 0)

        plsc.subcore_barrier()
        pltpu.sync_copy(adj_hbm.at[1, cid, sid], dbuf)

        wid = cid * NS + sid
        nb_real = jnp.clip(nb_tot - wid * nb, 0, nb)

        def body(j, c):
            pltpu.sync_copy(ones_v, deg_sh.at[dbuf.at[j]], add=True)
            return c
        lax.fori_loop(0, nb_real, body, 0)

        plsc.subcore_barrier()

        @pl.when(sid == 0)
        def _():
            pltpu.sync_copy(deg_sh, deg_hbm.at[cid])

    return deg_k


def _make_agg(nb, nb_tot):
    mesh = plsc.VectorSubcoreMesh(core_axis_name="c", subcore_axis_name="s")

    assert nb % 2 == 0
    hb = nb // 2
    assert hb % 2 == 0

    @functools.partial(
        pl.kernel, mesh=mesh,
        out_type=jax.ShapeDtypeStruct((NC, N_NODES, D), jnp.float32),
        scratch_types=[
            pltpu.VMEM((hb, EDGE_B), jnp.int32),
            pltpu.VMEM((hb, EDGE_B), jnp.int32),
            pltpu.VMEM((EDGE_B, D), jnp.float32),
            pltpu.VMEM((EDGE_B, D), jnp.float32),
            pltpu.VMEM_SHARED((N_ACC, D), jnp.float32),
            pltpu.SemaphoreType.DMA,
            pltpu.SemaphoreType.DMA,
        ],
    )
    def agg_k(adj_hbm, u_hbm, acc_hbm,
              sbuf, dbuf, rows_a, rows_b, acc_sh, sem_a, sem_b):
        cid = lax.axis_index("c")
        sid = lax.axis_index("s")

        def wait_g(rows, sem):
            pltpu.make_async_copy(u_hbm.at[sbuf.at[0]], rows, sem).wait()

        wid = cid * NS + sid
        nb_real = jnp.clip(nb_tot - wid * nb, 0, nb)

        pltpu.sync_copy(adj_hbm.at[0, cid, sid, pl.ds(0, hb)], sbuf)
        pltpu.sync_copy(adj_hbm.at[1, cid, sid, pl.ds(0, hb)], dbuf)

        @pl.when(nb_real > 0)
        def _():
            pltpu.async_copy(u_hbm.at[sbuf.at[0]], rows_b, sem_b)

        def zr(i, c):
            for k in range(D // 16):
                rows_a[i, pl.ds(k * 16, 16)] = jnp.zeros((16,), jnp.float32)
            return c
        lax.fori_loop(0, EDGE_B, zr, 0)

        r0 = sid * ROW_CH
        for k in range(ROW_SPAN // 80):
            pltpu.sync_copy(rows_a.at[pl.ds(0, 80)],
                            acc_sh.at[pl.ds(r0 + k * 80, 80)])
        plsc.subcore_barrier()

        for h in range(2):
            n_h = jnp.clip(nb_real - h * hb, 0, hb)
            pairs = n_h // 2

            @pl.when(jnp.logical_and(jnp.bool_(h == 1), n_h > 0))
            def _():
                pltpu.sync_copy(adj_hbm.at[0, cid, sid, pl.ds(hb, hb)], sbuf)
                pltpu.sync_copy(adj_hbm.at[1, cid, sid, pl.ds(hb, hb)], dbuf)
                pltpu.async_copy(u_hbm.at[sbuf.at[0]], rows_b, sem_b)

            def body(j, c):
                pltpu.async_copy(u_hbm.at[sbuf.at[2 * j + 1]], rows_a, sem_a)
                wait_g(rows_b, sem_b)
                pltpu.sync_copy(rows_b, acc_sh.at[dbuf.at[2 * j]], add=True)

                @pl.when(j < pairs - 1)
                def _():
                    pltpu.async_copy(u_hbm.at[sbuf.at[2 * j + 2]], rows_b, sem_b)
                wait_g(rows_a, sem_a)
                pltpu.sync_copy(rows_a, acc_sh.at[dbuf.at[2 * j + 1]], add=True)
                return c
            lax.fori_loop(0, pairs, body, 0)

        plsc.subcore_barrier()
        pltpu.sync_copy(acc_sh.at[pl.ds(r0, ROW_SPAN)],
                        acc_hbm.at[cid, pl.ds(r0, ROW_SPAN)])

    return agg_k


_BM = 1024
_GRID = -(-N_NODES // _BM)


def _deg_col(dp):
    ones21 = jnp.ones((2, 1), jnp.float32)
    return lax.dot_general(dp, ones21, (((0,), (0,)), ((), ()))) + 1.0


def _lin_body(x_ref, w_ref, dp_ref, u_ref):
    dis = lax.rsqrt(_deg_col(dp_ref[...]))
    h = jnp.dot(x_ref[...], w_ref[...], preferred_element_type=jnp.float32)
    u_ref[...] = h * dis


def _fin_body(acc_ref, u_ref, dp_ref, b_ref, o_ref):
    dis = lax.rsqrt(_deg_col(dp_ref[...]))
    s = acc_ref[0] + acc_ref[1] + u_ref[...]
    o_ref[...] = s * dis + b_ref[...]


_lin = pl.pallas_call(
    _lin_body,
    grid=(_GRID,),
    in_specs=[
        pl.BlockSpec((_BM, D), lambda i: (i, 0)),
        pl.BlockSpec((D, D), lambda i: (0, 0)),
        pl.BlockSpec((NC, _BM), lambda i: (0, i)),
    ],
    out_specs=pl.BlockSpec((_BM, D), lambda i: (i, 0)),
    out_shape=jax.ShapeDtypeStruct((N_NODES, D), jnp.float32),
)

_fin = pl.pallas_call(
    _fin_body,
    grid=(_GRID,),
    in_specs=[
        pl.BlockSpec((NC, _BM, D), lambda i: (0, i, 0)),
        pl.BlockSpec((_BM, D), lambda i: (i, 0)),
        pl.BlockSpec((NC, _BM), lambda i: (0, i)),
        pl.BlockSpec((1, D), lambda i: (0, 0)),
    ],
    out_specs=pl.BlockSpec((_BM, D), lambda i: (i, 0)),
    out_shape=jax.ShapeDtypeStruct((N_NODES, D), jnp.float32),
)


def kernel(x, adj_t, W, b):
    E = adj_t.shape[1]
    assert E % (2 * EDGE_B) == 0
    nb_tot = E // EDGE_B
    chunk = NC * NS * EDGE_B
    nb2 = -(-E // chunk)
    nb2 += nb2 % 2
    e_pad = nb2 * chunk - E
    if e_pad:
        adj_t = jnp.pad(adj_t, ((0, 0), (0, e_pad)))
    nb = nb2
    adj = adj_t.reshape(2, NC, NS, nb, EDGE_B)

    degp = _make_deg(nb, nb_tot)(adj)
    u = _lin(x, W, degp)
    accs = _make_agg(nb, nb_tot)(adj, u)
    return _fin(accs, u, degp, b.reshape(1, D))

# --- scband reference (transcript-rebuilt; emitter-appended) ---
"""Pipeline reference for scband-gnn-layer-22119081574558 (READ-ONLY COPY).

The authoritative reference and input builder live on the scoring server;
editing this copy changes nothing except your own understanding.
"""

import jax, jax.numpy as jnp
import numpy as np

N = 10000
E = 320000
D_IN = 128
D_OUT = 128

def setup_inputs(seed: int = 0) -> dict:
    key = jax.random.key(seed)
    k1, k2, k3 = jax.random.split(key, 3)
    x = jax.random.normal(k1, (N, D_IN), dtype=jnp.float32)
    adj_t = jax.random.randint(k2, (2, E), 0, N, dtype=jnp.int32)
    # GCNConv learned parameters (glorot-style init)
    W = jax.random.normal(k3, (D_IN, D_OUT), dtype=jnp.float32) / np.sqrt(D_IN)
    b = jnp.zeros((D_OUT,), dtype=jnp.float32)
    return {"x": x, "adj_t": adj_t, "W": W, "b": b}

def reference(x, adj_t, W, b):
    # GnnLayer with backbone='GCN' -> GCNConv(in_dim, out_dim)
    # 1) linear transform
    h = x @ W
    src = adj_t[0]
    dst = adj_t[1]
    # 2) add self-loops
    loop = jnp.arange(N, dtype=src.dtype)
    src = jnp.concatenate([src, loop])
    dst = jnp.concatenate([dst, loop])
    # 3) symmetric normalization deg^{-1/2} A deg^{-1/2} (edge weight = 1)
    deg = jnp.zeros((N,), dtype=h.dtype).at[dst].add(1.0)
    deg_inv_sqrt = jnp.where(deg > 0, deg ** -0.5, 0.0)
    norm = deg_inv_sqrt[src] * deg_inv_sqrt[dst]
    # 4) message passing: gather from src, scale, scatter-add to dst
    msg = h[src] * norm[:, None]
    out = jnp.zeros((N, D_OUT), dtype=h.dtype).at[dst].add(msg)
    # 5) bias
    return out + b

if __name__ == "__main__":
    import jax
    _d = setup_inputs()
    print(jax.jit(kernel)(*tuple(_d.values())))

</pallas_src>

<mosaic_0001>
#map = affine_map<(d0, d1) -> (0, 0, 0, 0, 0)>
#map1 = affine_map<(d0, d1) -> (0, 0)>
module attributes {stable_mosaic.version = 14 : i64} {
  func.func @deg_k(%arg0: i32, %arg1: i32, %arg2: memref<2x2x16x80x128xi32, #tpu.memory_space<hbm>>, %arg3: memref<2x10240xf32, #tpu.memory_space<hbm>>, %arg4: memref<80x128xi32, #tpu.memory_space<vmem>>, %arg5: memref<128xf32, #tpu.memory_space<vmem>>, %arg6: memref<2560xf32, #tpu.memory_space<vmem>>, %arg7: memref<10240xf32, #tpu.memory_space<vmem_shared>>) attributes {dimension_semantics = [#tpu.dimension_semantics<core_parallel>, #tpu.dimension_semantics<subcore_parallel>], iteration_bounds = array<i64: 2, 16>, scalar_prefetch = 0 : i64, scratch_operands = 4 : i64, tpu.core_type = #tpu.core_type<sc_vector_subcore>, window_params = [{transform_indices = #map}, {transform_indices = #map1}]} {
    %broadcast_in_dim3A = arith.constant 1.000000e+00 : f32
    %broadcast_in_dim3A_0 = vector.broadcast %broadcast_in_dim3A : f32 to vector<16xf32>
    %swap3A = arith.constant 0 : index
    %swap3A_1 = tpu.vector_load %arg5[%swap3A] {strides = array<i32>} : memref<128xf32, #tpu.memory_space<vmem>>, vector<16xf32>,
    %swap3A_2 = vector.shape_cast %swap3A_1 : vector<16xf32> to vector<16xf32>
    %swap3A_3 = vector.shape_cast %broadcast_in_dim3A_0 : vector<16xf32> to vector<16xf32>
    tpu.vector_store %arg5[%swap3A], %swap3A_3 {strides = array<i32>} : memref<128xf32, #tpu.memory_space<vmem>>, vector<16xf32>,
    %broadcast_in_dim3A_4 = arith.constant 1.000000e+00 : f32
    %broadcast_in_dim3A_5 = vector.broadcast %broadcast_in_dim3A_4 : f32 to vector<16xf32>
    %swap3A_6 = arith.constant 16 : index
    %swap3A_7 = tpu.vector_load %arg5[%swap3A_6] {strides = array<i32>} : memref<128xf32, #tpu.memory_space<vmem>>, vector<16xf32>,
    %swap3A_8 = vector.shape_cast %swap3A_7 : vector<16xf32> to vector<16xf32>
    %swap3A_9 = vector.shape_cast %broadcast_in_dim3A_5 : vector<16xf32> to vector<16xf32>
    tpu.vector_store %arg5[%swap3A_6], %swap3A_9 {strides = array<i32>} : memref<128xf32, #tpu.memory_space<vmem>>, vector<16xf32>,
    %broadcast_in_dim3A_10 = arith.constant 1.000000e+00 : f32
    %broadcast_in_dim3A_11 = vector.broadcast %broadcast_in_dim3A_10 : f32 to vector<16xf32>
    %swap3A_12 = arith.constant 32 : index
    %swap3A_13 = tpu.vector_load %arg5[%swap3A_12] {strides = array<i32>} : memref<128xf32, #tpu.memory_space<vmem>>, vector<16xf32>,
    %swap3A_14 = vector.shape_cast %swap3A_13 : vector<16xf32> to vector<16xf32>
    %swap3A_15 = vector.shape_cast %broadcast_in_dim3A_11 : vector<16xf32> to vector<16xf32>
    tpu.vector_store %arg5[%swap3A_12], %swap3A_15 {strides = array<i32>} : memref<128xf32, #tpu.memory_space<vmem>>, vector<16xf32>,
    %broadcast_in_dim3A_16 = arith.constant 1.000000e+00 : f32
    %broadcast_in_dim3A_17 = vector.broadcast %broadcast_in_dim3A_16 : f32 to vector<16xf32>
    %swap3A_18 = arith.constant 48 : index
    %swap3A_19 = tpu.vector_load %arg5[%swap3A_18] {strides = array<i32>} : memref<128xf32, #tpu.memory_space<vmem>>, vector<16xf32>,
    %swap3A_20 = vector.shape_cast %swap3A_19 : vector<16xf32> to vector<16xf32>
    %swap3A_21 = vector.shape_cast %broadcast_in_dim3A_17 : vector<16xf32> to vector<16xf32>
    tpu.vector_store %arg5[%swap3A_18], %swap3A_21 {strides = array<i32>} : memref<128xf32, #tpu.memory_space<vmem>>, vector<16xf32>,
    %broadcast_in_dim3A_22 = arith.constant 1.000000e+00 : f32
    %broadcast_in_dim3A_23 = vector.broadcast %broadcast_in_dim3A_22 : f32 to vector<16xf32>
    %swap3A_24 = arith.constant 64 : index
    %swap3A_25 = tpu.vector_load %arg5[%swap3A_24] {strides = array<i32>} : memref<128xf32, #tpu.memory_space<vmem>>, vector<16xf32>,
    %swap3A_26 = vector.shape_cast %swap3A_25 : vector<16xf32> to vector<16xf32>
    %swap3A_27 = vector.shape_cast %broadcast_in_dim3A_23 : vector<16xf32> to vector<16xf32>
    tpu.vector_store %arg5[%swap3A_24], %swap3A_27 {strides = array<i32>} : memref<128xf32, #tpu.memory_space<vmem>>, vector<16xf32>,
    %broadcast_in_dim3A_28 = arith.constant 1.000000e+00 : f32
    %broadcast_in_dim3A_29 = vector.broadcast %broadcast_in_dim3A_28 : f32 to vector<16xf32>
    %swap3A_30 = arith.constant 80 : index
    %swap3A_31 = tpu.vector_load %arg5[%swap3A_30] {strides = array<i32>} : memref<128xf32, #tpu.memory_space<vmem>>, vector<16xf32>,
    %swap3A_32 = vector.shape_cast %swap3A_31 : vector<16xf32> to vector<16xf32>
    %swap3A_33 = vector.shape_cast %broadcast_in_dim3A_29 : vector<16xf32> to vector<16xf32>
    tpu.vector_store %arg5[%swap3A_30], %swap3A_33 {strides = array<i32>} : memref<128xf32, #tpu.memory_space<vmem>>, vector<16xf32>,
    %broadcast_in_dim3A_34 = arith.constant 1.000000e+00 : f32
    %broadcast_in_dim3A_35 = vector.broadcast %broadcast_in_dim3A_34 : f32 to vector<16xf32>
    %swap3A_36 = arith.constant 96 : index
    %swap3A_37 = tpu.vector_load %arg5[%swap3A_36] {strides = array<i32>} : memref<128xf32, #tpu.memory_space<vmem>>, vector<16xf32>,
    %swap3A_38 = vector.shape_cast %swap3A_37 : vector<16xf32> to vector<16xf32>
    %swap3A_39 = vector.shape_cast %broadcast_in_dim3A_35 : vector<16xf32> to vector<16xf32>
    tpu.vector_store %arg5[%swap3A_36], %swap3A_39 {strides = array<i32>} : memref<128xf32, #tpu.memory_space<vmem>>, vector<16xf32>,
    %broadcast_in_dim3A_40 = arith.constant 1.000000e+00 : f32
    %broadcast_in_dim3A_41 = vector.broadcast %broadcast_in_dim3A_40 : f32 to vector<16xf32>
    %swap3A_42 = arith.constant 112 : index
    %swap3A_43 = tpu.vector_load %arg5[%swap3A_42] {strides = array<i32>} : memref<128xf32, #tpu.memory_space<vmem>>, vector<16xf32>,
    %swap3A_44 = vector.shape_cast %swap3A_43 : vector<16xf32> to vector<16xf32>
    %swap3A_45 = vector.shape_cast %broadcast_in_dim3A_41 : vector<16xf32> to vector<16xf32>
    tpu.vector_store %arg5[%swap3A_42], %swap3A_45 {strides = array<i32>} : memref<128xf32, #tpu.memory_space<vmem>>, vector<16xf32>,
    %scan3A = arith.constant 0 : i32
    %scan3A_46 = arith.constant 0 : i32
    %scan3A_47 = arith.constant 160 : i32
    %scan3A_48 = arith.addi %scan3A_46, %scan3A_47 : i32
    %scan3A_49 = arith.constant 1 : i32
    scf.for %scan3A_73 = %scan3A_46 to %scan3A_48 step %scan3A_49  : i32 {
      %broadcast_in_dim3A_74 = arith.constant 0.000000e+00 : f32
      %broadcast_in_dim3A_75 = vector.broadcast %broadcast_in_dim3A_74 : f32 to vector<16xf32>
      %mul3A_76 = arith.constant 16 : i32
      %mul3A_77 = arith.muli %scan3A_73, %mul3A_76 : i32
      %swap3A_78 = arith.index_cast %mul3A_77 : i32 to index
      %swap3A_79 = tpu.vector_load %arg6[%swap3A_78] {strides = array<i32>} : memref<2560xf32, #tpu.memory_space<vmem>>, vector<16xf32>,
      %swap3A_80 = vector.shape_cast %swap3A_79 : vector<16xf32> to vector<16xf32>
      %swap3A_81 = vector.shape_cast %broadcast_in_dim3A_75 : vector<16xf32> to vector<16xf32>
      tpu.vector_store %arg6[%swap3A_78], %swap3A_81 {strides = array<i32>} : memref<2560xf32, #tpu.memory_space<vmem>>, vector<16xf32>,
    }
    %scan3A_50 = arith.constant 160 : i32
    %eq3A = arith.constant 0 : i32
    %eq3A_51 = arith.cmpi eq, %arg1, %eq3A : i32
    %convert_element_type3A = arith.extui %eq3A_51 : i1 to i32
    %cond3A = arith.constant 0 : i32
    %cond3A_52 = arith.cmpi ne, %convert_element_type3A, %cond3A : i32
    scf.if %cond3A_52 {
      %scan3A_73 = arith.constant 0 : i32
      %scan3A_74 = arith.constant 0 : i32
      %scan3A_75 = arith.constant 4 : i32
      %scan3A_76 = arith.addi %scan3A_74, %scan3A_75 : i32
      %scan3A_77 = arith.constant 1 : i32
      scf.for %scan3A_79 = %scan3A_74 to %scan3A_76 step %scan3A_77  : i32 {
        %mul3A_80 = arith.constant 2560 : i32
        %mul3A_81 = arith.muli %scan3A_79, %mul3A_80 : i32
        "tpu.region"() ({
          %run_scoped3A_82 = tpu.sem_alloc : memref<!tpu.dma_semaphore, #tpu.memory_space<semaphore_mem>>
          %dma_start3A = tpu.memref_slice %arg7[%mul3A_81] : memref<10240xf32, #tpu.memory_space<vmem_shared>> -> memref<2560xf32, #tpu.memory_space<vmem_shared>>
          %dma_start3A_83 = tpu.memref_slice %arg7[%mul3A_81] : memref<10240xf32, #tpu.memory_space<vmem_shared>> -> memref<2560xf32, #tpu.memory_space<vmem_shared>>
          tpu.enqueue_dma source(%arg6 : memref<2560xf32, #tpu.memory_space<vmem>>) target(%dma_start3A_83 : memref<2560xf32, #tpu.memory_space<vmem_shared>>) target_semaphore(%run_scoped3A_82 : memref<!tpu.dma_semaphore, #tpu.memory_space<semaphore_mem>>)
          %dma_wait3A = tpu.memref_slice %arg7[%mul3A_81] : memref<10240xf32, #tpu.memory_space<vmem_shared>> -> memref<2560xf32, #tpu.memory_space<vmem_shared>>
          %dma_wait3A_84 = tpu.memref_slice %arg7[%mul3A_81] : memref<10240xf32, #tpu.memory_space<vmem_shared>> -> memref<2560xf32, #tpu.memory_space<vmem_shared>>
          tpu.wait_dma2 semaphore(%run_scoped3A_82 : memref<!tpu.dma_semaphore, #tpu.memory_space<semaphore_mem>>) src(%arg6 : memref<2560xf32, #tpu.memory_space<vmem>>) dst(%dma_wait3A_84 : memref<2560xf32, #tpu.memory_space<vmem_shared>>)
          tpu.yield
        }) : () -> ()
      }
      %scan3A_78 = arith.constant 4 : i32
    } else {
    }
    %barrier3A = arith.constant 0 : index
    tpu.barrier barrier_id(%barrier3A)
    %run_scoped3A = arith.constant 1 : i32
    "tpu.region"() ({
      %run_scoped3A_73 = tpu.sem_alloc : memref<!tpu.dma_semaphore, #tpu.memory_space<semaphore_mem>>
      %dma_start3A = arith.constant 0 : i32
      %dma_start3A_74 = arith.constant 0 : i32
      %dma_start3A_75 = tpu.memref_slice %arg2[%run_scoped3A, %arg0, %arg1, %dma_start3A, %dma_start3A_74] : memref<2x2x16x80x128xi32, #tpu.memory_space<hbm>> -> memref<1x1x1x80x128xi32, #tpu.memory_space<hbm>>
      %dma_start3A_76 = tpu.memref_squeeze %dma_start3A_75 : memref<1x1x1x80x128xi32, #tpu.memory_space<hbm>> -> memref<80x128xi32, #tpu.memory_space<hbm>>
      %dma_start3A_77 = arith.constant 0 : i32
      %dma_start3A_78 = arith.constant 0 : i32
      %dma_start3A_79 = tpu.memref_slice %arg2[%run_scoped3A, %arg0, %arg1, %dma_start3A_77, %dma_start3A_78] : memref<2x2x16x80x128xi32, #tpu.memory_space<hbm>> -> memref<1x1x1x80x128xi32, #tpu.memory_space<hbm>>
      %dma_start3A_80 = tpu.memref_squeeze %dma_start3A_79 : memref<1x1x1x80x128xi32, #tpu.memory_space<hbm>> -> memref<80x128xi32, #tpu.memory_space<hbm>>
      tpu.enqueue_dma source(%dma_start3A_80 : memref<80x128xi32, #tpu.memory_space<hbm>>) target(%arg4 : memref<80x128xi32, #tpu.memory_space<vmem>>) target_semaphore(%run_scoped3A_73 : memref<!tpu.dma_semaphore, #tpu.memory_space<semaphore_mem>>)
      %dma_wait3A = arith.constant 0 : i32
      %dma_wait3A_81 = arith.constant 0 : i32
      %dma_wait3A_82 = tpu.memref_slice %arg2[%run_scoped3A, %arg0, %arg1, %dma_wait3A, %dma_wait3A_81] : memref<2x2x16x80x128xi32, #tpu.memory_space<hbm>> -> memref<1x1x1x80x128xi32, #tpu.memory_space<hbm>>
      %dma_wait3A_83 = tpu.memref_squeeze %dma_wait3A_82 : memref<1x1x1x80x128xi32, #tpu.memory_space<hbm>> -> memref<80x128xi32, #tpu.memory_space<hbm>>
      %dma_wait3A_84 = arith.constant 0 : i32
      %dma_wait3A_85 = arith.constant 0 : i32
      %dma_wait3A_86 = tpu.memref_slice %arg2[%run_scoped3A, %arg0, %arg1, %dma_wait3A_84, %dma_wait3A_85] : memref<2x2x16x80x128xi32, #tpu.memory_space<hbm>> -> memref<1x1x1x80x128xi32, #tpu.memory_space<hbm>>
      %dma_wait3A_87 = tpu.memref_squeeze %dma_wait3A_86 : memref<1x1x1x80x128xi32, #tpu.memory_space<hbm>> -> memref<80x128xi32, #tpu.memory_space<hbm>>
      tpu.wait_dma2 semaphore(%run_scoped3A_73 : memref<!tpu.dma_semaphore, #tpu.memory_space<semaphore_mem>>) src(%dma_wait3A_87 : memref<80x128xi32, #tpu.memory_space<hbm>>) dst(%arg4 : memref<80x128xi32, #tpu.memory_space<vmem>>)
      tpu.yield
    }) : () -> ()
    %mul3A = arith.constant 16 : i32
    %mul3A_53 = arith.muli %arg0, %mul3A : i32
    %add3A = arith.addi %mul3A_53, %arg1 : i32
    %mul3A_54 = arith.constant 80 : i32
    %mul3A_55 = arith.muli %add3A, %mul3A_54 : i32
    %sub3A = arith.constant 2500 : i32
    %sub3A_56 = arith.subi %sub3A, %mul3A_55 : i32
    %jit3A = arith.constant 0 : i32
    %jit3A_57 = arith.constant 80 : i32
    %max3A = arith.maxsi %jit3A, %sub3A_56 : i32
    %min3A = arith.minsi %jit3A_57, %max3A : i32
    %while3A = arith.constant 0 : i32
    %while3A_58 = arith.constant 0 : i32
    %while3A_59 = arith.subi %min3A, %while3A_58 : i32
    %while3A_60 = arith.addi %while3A_58, %while3A_59 : i32
    %while3A_61 = arith.constant 1 : i32
    %while3A_62 = arith.divsi %while3A_59, %while3A_61 : i32
    %while3A_63 = arith.muli %while3A_62, %while3A_61 : i32
    %while3A_64 = arith.addi %while3A_58, %while3A_63 : i32
    %while3A_65 = arith.constant 1 : i32
    scf.for %while3A_73 = %while3A_58 to %while3A_64 step %while3A_65  : i32 {
      "tpu.region"() ({
        %run_scoped3A_74 = tpu.sem_alloc : memref<!tpu.dma_semaphore, #tpu.memory_space<semaphore_mem>>
        %dma_start3A = arith.constant 0 : i32
        %dma_start3A_75 = tpu.memref_slice %arg4[%while3A_73, %dma_start3A] : memref<80x128xi32, #tpu.memory_space<vmem>> -> memref<1x128xi32, #tpu.memory_space<vmem>>
        %dma_start3A_76 = tpu.memref_squeeze %dma_start3A_75 : memref<1x128xi32, #tpu.memory_space<vmem>> -> memref<128xi32, #tpu.memory_space<vmem>>
        %dma_start3A_77 = arith.constant 0 : i32
        %dma_start3A_78 = tpu.memref_slice %arg7[%dma_start3A_77] : memref<10240xf32, #tpu.memory_space<vmem_shared>> -> memref<10240xf32, #tpu.memory_space<vmem_shared>>
        tpu.enqueue_indirect_dma source(%arg5 : memref<128xf32, #tpu.memory_space<vmem>>) target(%dma_start3A_78 : memref<10240xf32, #tpu.memory_space<vmem_shared>>) offsets(%dma_start3A_76 : memref<128xi32, #tpu.memory_space<vmem>>) semaphore(%run_scoped3A_74 : memref<!tpu.dma_semaphore, #tpu.memory_space<semaphore_mem>>) {add = true}
        %dma_wait3A = arith.constant 0 : i32
        %dma_wait3A_79 = tpu.memref_slice %arg4[%while3A_73, %dma_wait3A] : memref<80x128xi32, #tpu.memory_space<vmem>> -> memref<1x128xi32, #tpu.memory_space<vmem>>
        %dma_wait3A_80 = tpu.memref_squeeze %dma_wait3A_79 : memref<1x128xi32, #tpu.memory_space<vmem>> -> memref<128xi32, #tpu.memory_space<vmem>>
        %dma_wait3A_81 = arith.constant 0 : i32
        %dma_wait3A_82 = tpu.memref_slice %arg7[%dma_wait3A_81] : memref<10240xf32, #tpu.memory_space<vmem_shared>> -> memref<10240xf32, #tpu.memory_space<vmem_shared>>
        tpu.wait_indirect_dma semaphore(%run_scoped3A_74 : memref<!tpu.dma_semaphore, #tpu.memory_space<semaphore_mem>>) src(%arg5 : memref<128xf32, #tpu.memory_space<vmem>>) dst(%dma_wait3A_82 : memref<10240xf32, #tpu.memory_space<vmem_shared>>)
        tpu.yield
      }) : () -> ()
    }
    %while3A_66 = arith.constant 1 : i32
    scf.for %while3A_73 = %while3A_64 to %while3A_60 step %while3A_66  : i32 {
      "tpu.region"() ({
        %run_scoped3A_74 = tpu.sem_alloc : memref<!tpu.dma_semaphore, #tpu.memory_space<semaphore_mem>>
        %dma_start3A = arith.constant 0 : i32
        %dma_start3A_75 = tpu.memref_slice %arg4[%while3A_73, %dma_start3A] : memref<80x128xi32, #tpu.memory_space<vmem>> -> memref<1x128xi32, #tpu.memory_space<vmem>>
        %dma_start3A_76 = tpu.memref_squeeze %dma_start3A_75 : memref<1x128xi32, #tpu.memory_space<vmem>> -> memref<128xi32, #tpu.memory_space<vmem>>
        %dma_start3A_77 = arith.constant 0 : i32
        %dma_start3A_78 = tpu.memref_slice %arg7[%dma_start3A_77] : memref<10240xf32, #tpu.memory_space<vmem_shared>> -> memref<10240xf32, #tpu.memory_space<vmem_shared>>
        tpu.enqueue_indirect_dma source(%arg5 : memref<128xf32, #tpu.memory_space<vmem>>) target(%dma_start3A_78 : memref<10240xf32, #tpu.memory_space<vmem_shared>>) offsets(%dma_start3A_76 : memref<128xi32, #tpu.memory_space<vmem>>) semaphore(%run_scoped3A_74 : memref<!tpu.dma_semaphore, #tpu.memory_space<semaphore_mem>>) {add = true}
        %dma_wait3A = arith.constant 0 : i32
        %dma_wait3A_79 = tpu.memref_slice %arg4[%while3A_73, %dma_wait3A] : memref<80x128xi32, #tpu.memory_space<vmem>> -> memref<1x128xi32, #tpu.memory_space<vmem>>
        %dma_wait3A_80 = tpu.memref_squeeze %dma_wait3A_79 : memref<1x128xi32, #tpu.memory_space<vmem>> -> memref<128xi32, #tpu.memory_space<vmem>>
        %dma_wait3A_81 = arith.constant 0 : i32
        %dma_wait3A_82 = tpu.memref_slice %arg7[%dma_wait3A_81] : memref<10240xf32, #tpu.memory_space<vmem_shared>> -> memref<10240xf32, #tpu.memory_space<vmem_shared>>
        tpu.wait_indirect_dma semaphore(%run_scoped3A_74 : memref<!tpu.dma_semaphore, #tpu.memory_space<semaphore_mem>>) src(%arg5 : memref<128xf32, #tpu.memory_space<vmem>>) dst(%dma_wait3A_82 : memref<10240xf32, #tpu.memory_space<vmem_shared>>)
        tpu.yield
      }) : () -> ()
    }
    %barrier3A_67 = arith.constant 0 : index
    tpu.barrier barrier_id(%barrier3A_67)
    %eq3A_68 = arith.constant 0 : i32
    %eq3A_69 = arith.cmpi eq, %arg1, %eq3A_68 : i32
    %convert_element_type3A_70 = arith.extui %eq3A_69 : i1 to i32
    %cond3A_71 = arith.constant 0 : i32
    %cond3A_72 = arith.cmpi ne, %convert_element_type3A_70, %cond3A_71 : i32
    scf.if %cond3A_72 {
      "tpu.region"() ({
        %run_scoped3A_73 = tpu.sem_alloc : memref<!tpu.dma_semaphore, #tpu.memory_space<semaphore_mem>>
        %dma_start3A = arith.constant 0 : i32
        %dma_start3A_74 = tpu.memref_slice %arg3[%arg0, %dma_start3A] : memref<2x10240xf32, #tpu.memory_space<hbm>> -> memref<1x10240xf32, #tpu.memory_space<hbm>>
        %dma_start3A_75 = tpu.memref_squeeze %dma_start3A_74 : memref<1x10240xf32, #tpu.memory_space<hbm>> -> memref<10240xf32, #tpu.memory_space<hbm>>
        tpu.enqueue_dma source(%arg7 : memref<10240xf32, #tpu.memory_space<vmem_shared>>) target(%dma_start3A_75 : memref<10240xf32, #tpu.memory_space<hbm>>) target_semaphore(%run_scoped3A_73 : memref<!tpu.dma_semaphore, #tpu.memory_space<semaphore_mem>>)
        %dma_wait3A = arith.constant 0 : i32
        %dma_wait3A_76 = tpu.memref_slice %arg3[%arg0, %dma_wait3A] : memref<2x10240xf32, #tpu.memory_space<hbm>> -> memref<1x10240xf32, #tpu.memory_space<hbm>>
        %dma_wait3A_77 = tpu.memref_squeeze %dma_wait3A_76 : memref<1x10240xf32, #tpu.memory_space<hbm>> -> memref<10240xf32, #tpu.memory_space<hbm>>
        tpu.wait_dma2 semaphore(%run_scoped3A_73 : memref<!tpu.dma_semaphore, #tpu.memory_space<semaphore_mem>>) src(%arg7 : memref<10240xf32, #tpu.memory_space<vmem_shared>>) dst(%dma_wait3A_77 : memref<10240xf32, #tpu.memory_space<hbm>>)
        tpu.yield
      }) : () -> ()
    } else {
    }
    return
  }
}

#map = affine_map<(d0, d1) -> (0, 0, 0, 0, 0)>
#map1 = affine_map<(d0, d1) -> (0, 0)>
#map2 = affine_map<(d0, d1) -> (0, 0, 0)>
module attributes {stable_mosaic.version = 14 : i64} {
  func.func @agg_k(%arg0: i32, %arg1: i32, %arg2: memref<2x2x16x80x128xi32, #tpu.memory_space<hbm>>, %arg3: memref<10000x128xf32, #tpu.memory_space<hbm>>, %arg4: memref<2x10000x128xf32, #tpu.memory_space<hbm>>, %arg5: memref<40x128xi32, #tpu.memory_space<vmem>>, %arg6: memref<40x128xi32, #tpu.memory_space<vmem>>, %arg7: memref<128x128xf32, #tpu.memory_space<vmem>>, %arg8: memref<128x128xf32, #tpu.memory_space<vmem>>, %arg9: memref<10000x128xf32, #tpu.memory_space<vmem_shared>>, %arg10: memref<!tpu.dma_semaphore, #tpu.memory_space<semaphore_mem>>, %arg11: memref<!tpu.dma_semaphore, #tpu.memory_space<semaphore_mem>>) attributes {dimension_semantics = [#tpu.dimension_semantics<core_parallel>, #tpu.dimension_semantics<subcore_parallel>], iteration_bounds = array<i64: 2, 16>, scalar_prefetch = 0 : i64, scratch_operands = 7 : i64, tpu.core_type = #tpu.core_type<sc_vector_subcore>, window_params = [{transform_indices = #map}, {transform_indices = #map1}, {transform_indices = #map2}]} {
    %mul3A = arith.constant 16 : i32
    %mul3A_0 = arith.muli %arg0, %mul3A : i32
    %add3A = arith.addi %mul3A_0, %arg1 : i32
    %mul3A_1 = arith.constant 80 : i32
    %mul3A_2 = arith.muli %add3A, %mul3A_1 : i32
    %sub3A = arith.constant 2500 : i32
    %sub3A_3 = arith.subi %sub3A, %mul3A_2 : i32
    %jit3A = arith.constant 0 : i32
    %jit3A_4 = arith.constant 80 : i32
    %max3A = arith.maxsi %jit3A, %sub3A_3 : i32
    %min3A = arith.minsi %jit3A_4, %max3A : i32
    %run_scoped3A = arith.constant 0 : i32
    "tpu.region"() ({
      %run_scoped3A_119 = tpu.sem_alloc : memref<!tpu.dma_semaphore, #tpu.memory_space<semaphore_mem>>
      %dma_start3A = arith.constant 0 : i32
      %dma_start3A_120 = arith.constant 0 : i32
      %dma_start3A_121 = tpu.memref_slice %arg2[%run_scoped3A, %arg0, %arg1, %dma_start3A, %dma_start3A_120] : memref<2x2x16x80x128xi32, #tpu.memory_space<hbm>> -> memref<1x1x1x40x128xi32, #tpu.memory_space<hbm>>
      %dma_start3A_122 = tpu.memref_squeeze %dma_start3A_121 : memref<1x1x1x40x128xi32, #tpu.memory_space<hbm>> -> memref<40x128xi32, #tpu.memory_space<hbm>>
      %dma_start3A_123 = arith.constant 0 : i32
      %dma_start3A_124 = arith.constant 0 : i32
      %dma_start3A_125 = tpu.memref_slice %arg2[%run_scoped3A, %arg0, %arg1, %dma_start3A_123, %dma_start3A_124] : memref<2x2x16x80x128xi32, #tpu.memory_space<hbm>> -> memref<1x1x1x40x128xi32, #tpu.memory_space<hbm>>
      %dma_start3A_126 = tpu.memref_squeeze %dma_start3A_125 : memref<1x1x1x40x128xi32, #tpu.memory_space<hbm>> -> memref<40x128xi32, #tpu.memory_space<hbm>>
      tpu.enqueue_dma source(%dma_start3A_126 : memref<40x128xi32, #tpu.memory_space<hbm>>) target(%arg5 : memref<40x128xi32, #tpu.memory_space<vmem>>) target_semaphore(%run_scoped3A_119 : memref<!tpu.dma_semaphore, #tpu.memory_space<semaphore_mem>>)
      %dma_wait3A = arith.constant 0 : i32
      %dma_wait3A_127 = arith.constant 0 : i32
      %dma_wait3A_128 = tpu.memref_slice %arg2[%run_scoped3A, %arg0, %arg1, %dma_wait3A, %dma_wait3A_127] : memref<2x2x16x80x128xi32, #tpu.memory_space<hbm>> -> memref<1x1x1x40x128xi32, #tpu.memory_space<hbm>>
      %dma_wait3A_129 = tpu.memref_squeeze %dma_wait3A_128 : memref<1x1x1x40x128xi32, #tpu.memory_space<hbm>> -> memref<40x128xi32, #tpu.memory_space<hbm>>
      %dma_wait3A_130 = arith.constant 0 : i32
      %dma_wait3A_131 = arith.constant 0 : i32
      %dma_wait3A_132 = tpu.memref_slice %arg2[%run_scoped3A, %arg0, %arg1, %dma_wait3A_130, %dma_wait3A_131] : memref<2x2x16x80x128xi32, #tpu.memory_space<hbm>> -> memref<1x1x1x40x128xi32, #tpu.memory_space<hbm>>
      %dma_wait3A_133 = tpu.memref_squeeze %dma_wait3A_132 : memref<1x1x1x40x128xi32, #tpu.memory_space<hbm>> -> memref<40x128xi32, #tpu.memory_space<hbm>>
      tpu.wait_dma2 semaphore(%run_scoped3A_119 : memref<!tpu.dma_semaphore, #tpu.memory_space<semaphore_mem>>) src(%dma_wait3A_133 : memref<40x128xi32, #tpu.memory_space<hbm>>) dst(%arg5 : memref<40x128xi32, #tpu.memory_space<vmem>>)
      tpu.yield
    }) : () -> ()
    %run_scoped3A_5 = arith.constant 1 : i32
    "tpu.region"() ({
      %run_scoped3A_119 = tpu.sem_alloc : memref<!tpu.dma_semaphore, #tpu.memory_space<semaphore_mem>>
      %dma_start3A = arith.constant 0 : i32
      %dma_start3A_120 = arith.constant 0 : i32
      %dma_start3A_121 = tpu.memref_slice %arg2[%run_scoped3A_5, %arg0, %arg1, %dma_start3A, %dma_start3A_120] : memref<2x2x16x80x128xi32, #tpu.memory_space<hbm>> -> memref<1x1x1x40x128xi32, #tpu.memory_space<hbm>>
      %dma_start3A_122 = tpu.memref_squeeze %dma_start3A_121 : memref<1x1x1x40x128xi32, #tpu.memory_space<hbm>> -> memref<40x128xi32, #tpu.memory_space<hbm>>
      %dma_start3A_123 = arith.constant 0 : i32
      %dma_start3A_124 = arith.constant 0 : i32
      %dma_start3A_125 = tpu.memref_slice %arg2[%run_scoped3A_5, %arg0, %arg1, %dma_start3A_123, %dma_start3A_124] : memref<2x2x16x80x128xi32, #tpu.memory_space<hbm>> -> memref<1x1x1x40x128xi32, #tpu.memory_space<hbm>>
      %dma_start3A_126 = tpu.memref_squeeze %dma_start3A_125 : memref<1x1x1x40x128xi32, #tpu.memory_space<hbm>> -> memref<40x128xi32, #tpu.memory_space<hbm>>
      tpu.enqueue_dma source(%dma_start3A_126 : memref<40x128xi32, #tpu.memory_space<hbm>>) target(%arg6 : memref<40x128xi32, #tpu.memory_space<vmem>>) target_semaphore(%run_scoped3A_119 : memref<!tpu.dma_semaphore, #tpu.memory_space<semaphore_mem>>)
      %dma_wait3A = arith.constant 0 : i32
      %dma_wait3A_127 = arith.constant 0 : i32
      %dma_wait3A_128 = tpu.memref_slice %arg2[%run_scoped3A_5, %arg0, %arg1, %dma_wait3A, %dma_wait3A_127] : memref<2x2x16x80x128xi32, #tpu.memory_space<hbm>> -> memref<1x1x1x40x128xi32, #tpu.memory_space<hbm>>
      %dma_wait3A_129 = tpu.memref_squeeze %dma_wait3A_128 : memref<1x1x1x40x128xi32, #tpu.memory_space<hbm>> -> memref<40x128xi32, #tpu.memory_space<hbm>>
      %dma_wait3A_130 = arith.constant 0 : i32
      %dma_wait3A_131 = arith.constant 0 : i32
      %dma_wait3A_132 = tpu.memref_slice %arg2[%run_scoped3A_5, %arg0, %arg1, %dma_wait3A_130, %dma_wait3A_131] : memref<2x2x16x80x128xi32, #tpu.memory_space<hbm>> -> memref<1x1x1x40x128xi32, #tpu.memory_space<hbm>>
      %dma_wait3A_133 = tpu.memref_squeeze %dma_wait3A_132 : memref<1x1x1x40x128xi32, #tpu.memory_space<hbm>> -> memref<40x128xi32, #tpu.memory_space<hbm>>
      tpu.wait_dma2 semaphore(%run_scoped3A_119 : memref<!tpu.dma_semaphore, #tpu.memory_space<semaphore_mem>>) src(%dma_wait3A_133 : memref<40x128xi32, #tpu.memory_space<hbm>>) dst(%arg6 : memref<40x128xi32, #tpu.memory_space<vmem>>)
      tpu.yield
    }) : () -> ()
    %gt3A = arith.constant 0 : i32
    %gt3A_6 = arith.cmpi sgt, %min3A, %gt3A : i32
    %convert_element_type3A = arith.extui %gt3A_6 : i1 to i32
    %cond3A = arith.constant 0 : i32
    %cond3A_7 = arith.cmpi ne, %convert_element_type3A, %cond3A : i32
    scf.if %cond3A_7 {
      %dma_start3A = arith.constant 0 : i32
      %dma_start3A_119 = arith.constant 0 : i32
      %dma_start3A_120 = tpu.memref_slice %arg5[%dma_start3A, %dma_start3A_119] : memref<40x128xi32, #tpu.memory_space<vmem>> -> memref<1x128xi32, #tpu.memory_space<vmem>>
      %dma_start3A_121 = tpu.memref_squeeze %dma_start3A_120 : memref<1x128xi32, #tpu.memory_space<vmem>> -> memref<128xi32, #tpu.memory_space<vmem>>
      %dma_start3A_122 = arith.constant 0 : i32
      %dma_start3A_123 = arith.constant 0 : i32
      %dma_start3A_124 = tpu.memref_slice %arg3[%dma_start3A_122, %dma_start3A_123] : memref<10000x128xf32, #tpu.memory_space<hbm>> -> memref<10000x128xf32, #tpu.memory_space<hbm>>
      tpu.enqueue_indirect_dma source(%dma_start3A_124 : memref<10000x128xf32, #tpu.memory_space<hbm>>) target(%arg8 : memref<128x128xf32, #tpu.memory_space<vmem>>) offsets(%dma_start3A_121 : memref<128xi32, #tpu.memory_space<vmem>>) semaphore(%arg11 : memref<!tpu.dma_semaphore, #tpu.memory_space<semaphore_mem>>)
    } else {
    }
    %scan3A = arith.constant 0 : i32
    %scan3A_8 = arith.constant 0 : i32
    %scan3A_9 = arith.constant 128 : i32
    %scan3A_10 = arith.addi %scan3A_8, %scan3A_9 : i32
    %scan3A_11 = arith.constant 1 : i32
    scf.for %scan3A_119 = %scan3A_8 to %scan3A_10 step %scan3A_11  : i32 {
      %broadcast_in_dim3A = arith.constant 0.000000e+00 : f32
      %broadcast_in_dim3A_120 = vector.broadcast %broadcast_in_dim3A : f32 to vector<16xf32>
      %swap3A = arith.index_cast %scan3A_119 : i32 to index
      %swap3A_121 = arith.constant 0 : index
      %swap3A_122 = tpu.vector_load %arg7[%swap3A, %swap3A_121] {strides = array<i32>} : memref<128x128xf32, #tpu.memory_space<vmem>>, vector<1x16xf32>,
      %swap3A_123 = vector.shape_cast %swap3A_122 : vector<1x16xf32> to vector<16xf32>
      %swap3A_124 = vector.shape_cast %broadcast_in_dim3A_120 : vector<16xf32> to vector<1x16xf32>
      tpu.vector_store %arg7[%swap3A, %swap3A_121], %swap3A_124 {strides = array<i32>} : memref<128x128xf32, #tpu.memory_space<vmem>>, vector<1x16xf32>,
      %broadcast_in_dim3A_125 = arith.constant 0.000000e+00 : f32
      %broadcast_in_dim3A_126 = vector.broadcast %broadcast_in_dim3A_125 : f32 to vector<16xf32>
      %swap3A_127 = arith.index_cast %scan3A_119 : i32 to index
      %swap3A_128 = arith.constant 16 : index
      %swap3A_129 = tpu.vector_load %arg7[%swap3A_127, %swap3A_128] {strides = array<i32>} : memref<128x128xf32, #tpu.memory_space<vmem>>, vector<1x16xf32>,
      %swap3A_130 = vector.shape_cast %swap3A_129 : vector<1x16xf32> to vector<16xf32>
      %swap3A_131 = vector.shape_cast %broadcast_in_dim3A_126 : vector<16xf32> to vector<1x16xf32>
      tpu.vector_store %arg7[%swap3A_127, %swap3A_128], %swap3A_131 {strides = array<i32>} : memref<128x128xf32, #tpu.memory_space<vmem>>, vector<1x16xf32>,
      %broadcast_in_dim3A_132 = arith.constant 0.000000e+00 : f32
      %broadcast_in_dim3A_133 = vector.broadcast %broadcast_in_dim3A_132 : f32 to vector<16xf32>
      %swap3A_134 = arith.index_cast %scan3A_119 : i32 to index
      %swap3A_135 = arith.constant 32 : index
      %swap3A_136 = tpu.vector_load %arg7[%swap3A_134, %swap3A_135] {strides = array<i32>} : memref<128x128xf32, #tpu.memory_space<vmem>>, vector<1x16xf32>,
      %swap3A_137 = vector.shape_cast %swap3A_136 : vector<1x16xf32> to vector<16xf32>
      %swap3A_138 = vector.shape_cast %broadcast_in_dim3A_133 : vector<16xf32> to vector<1x16xf32>
      tpu.vector_store %arg7[%swap3A_134, %swap3A_135], %swap3A_138 {strides = array<i32>} : memref<128x128xf32, #tpu.memory_space<vmem>>, vector<1x16xf32>,
      %broadcast_in_dim3A_139 = arith.constant 0.000000e+00 : f32
      %broadcast_in_dim3A_140 = vector.broadcast %broadcast_in_dim3A_139 : f32 to vector<16xf32>
      %swap3A_141 = arith.index_cast %scan3A_119 : i32 to index
      %swap3A_142 = arith.constant 48 : index
      %swap3A_143 = tpu.vector_load %arg7[%swap3A_141, %swap3A_142] {strides = array<i32>} : memref<128x128xf32, #tpu.memory_space<vmem>>, vector<1x16xf32>,
      %swap3A_144 = vector.shape_cast %swap3A_143 : vector<1x16xf32> to vector<16xf32>
      %swap3A_145 = vector.shape_cast %broadcast_in_dim3A_140 : vector<16xf32> to vector<1x16xf32>
      tpu.vector_store %arg7[%swap3A_141, %swap3A_142], %swap3A_145 {strides = array<i32>} : memref<128x128xf32, #tpu.memory_space<vmem>>, vector<1x16xf32>,
      %broadcast_in_dim3A_146 = arith.constant 0.000000e+00 : f32
      %broadcast_in_dim3A_147 = vector.broadcast %broadcast_in_dim3A_146 : f32 to vector<16xf32>
      %swap3A_148 = arith.index_cast %scan3A_119 : i32 to index
      %swap3A_149 = arith.constant 64 : index
      %swap3A_150 = tpu.vector_load %arg7[%swap3A_148, %swap3A_149] {strides = array<i32>} : memref<128x128xf32, #tpu.memory_space<vmem>>, vector<1x16xf32>,
      %swap3A_151 = vector.shape_cast %swap3A_150 : vector<1x16xf32> to vector<16xf32>
      %swap3A_152 = vector.shape_cast %broadcast_in_dim3A_147 : vector<16xf32> to vector<1x16xf32>
      tpu.vector_store %arg7[%swap3A_148, %swap3A_149], %swap3A_152 {strides = array<i32>} : memref<128x128xf32, #tpu.memory_space<vmem>>, vector<1x16xf32>,
      %broadcast_in_dim3A_153 = arith.constant 0.000000e+00 : f32
      %broadcast_in_dim3A_154 = vector.broadcast %broadcast_in_dim3A_153 : f32 to vector<16xf32>
      %swap3A_155 = arith.index_cast %scan3A_119 : i32 to index
      %swap3A_156 = arith.constant 80 : index
      %swap3A_157 = tpu.vector_load %arg7[%swap3A_155, %swap3A_156] {strides = array<i32>} : memref<128x128xf32, #tpu.memory_space<vmem>>, vector<1x16xf32>,
      %swap3A_158 = vector.shape_cast %swap3A_157 : vector<1x16xf32> to vector<16xf32>
      %swap3A_159 = vector.shape_cast %broadcast_in_dim3A_154 : vector<16xf32> to vector<1x16xf32>
      tpu.vector_store %arg7[%swap3A_155, %swap3A_156], %swap3A_159 {strides = array<i32>} : memref<128x128xf32, #tpu.memory_space<vmem>>, vector<1x16xf32>,
      %broadcast_in_dim3A_160 = arith.constant 0.000000e+00 : f32
      %broadcast_in_dim3A_161 = vector.broadcast %broadcast_in_dim3A_160 : f32 to vector<16xf32>
      %swap3A_162 = arith.index_cast %scan3A_119 : i32 to index
      %swap3A_163 = arith.constant 96 : index
      %swap3A_164 = tpu.vector_load %arg7[%swap3A_162, %swap3A_163] {strides = array<i32>} : memref<128x128xf32, #tpu.memory_space<vmem>>, vector<1x16xf32>,
      %swap3A_165 = vector.shape_cast %swap3A_164 : vector<1x16xf32> to vector<16xf32>
      %swap3A_166 = vector.shape_cast %broadcast_in_dim3A_161 : vector<16xf32> to vector<1x16xf32>
      tpu.vector_store %arg7[%swap3A_162, %swap3A_163], %swap3A_166 {strides = array<i32>} : memref<128x128xf32, #tpu.memory_space<vmem>>, vector<1x16xf32>,
      %broadcast_in_dim3A_167 = arith.constant 0.000000e+00 : f32
      %broadcast_in_dim3A_168 = vector.broadcast %broadcast_in_dim3A_167 : f32 to vector<16xf32>
      %swap3A_169 = arith.index_cast %scan3A_119 : i32 to index
      %swap3A_170 = arith.constant 112 : index
      %swap3A_171 = tpu.vector_load %arg7[%swap3A_169, %swap3A_170] {strides = array<i32>} : memref<128x128xf32, #tpu.memory_space<vmem>>, vector<1x16xf32>,
      %swap3A_172 = vector.shape_cast %swap3A_171 : vector<1x16xf32> to vector<16xf32>
      %swap3A_173 = vector.shape_cast %broadcast_in_dim3A_168 : vector<16xf32> to vector<1x16xf32>
      tpu.vector_store %arg7[%swap3A_169, %swap3A_170], %swap3A_173 {strides = array<i32>} : memref<128x128xf32, #tpu.memory_space<vmem>>, vector<1x16xf32>,
    }
    %scan3A_12 = arith.constant 128 : i32
    %mul3A_13 = arith.constant 624 : i32
    %mul3A_14 = arith.muli %arg1, %mul3A_13 : i32
    %add3A_15 = arith.constant 0 : i32
    %add3A_16 = arith.addi %mul3A_14, %add3A_15 : i32
    "tpu.region"() ({
      %run_scoped3A_119 = tpu.sem_alloc : memref<!tpu.dma_semaphore, #tpu.memory_space<semaphore_mem>>
      %dma_start3A = arith.constant 0 : i32
      %dma_start3A_120 = arith.constant 0 : i32
      %dma_start3A_121 = tpu.memref_slice %arg7[%dma_start3A, %dma_start3A_120] : memref<128x128xf32, #tpu.memory_space<vmem>> -> memref<80x128xf32, #tpu.memory_space<vmem>>
      %dma_start3A_122 = arith.constant 0 : i32
      %dma_start3A_123 = tpu.memref_slice %arg9[%add3A_16, %dma_start3A_122] : memref<10000x128xf32, #tpu.memory_space<vmem_shared>> -> memref<80x128xf32, #tpu.memory_space<vmem_shared>>
      %dma_start3A_124 = arith.constant 0 : i32
      %dma_start3A_125 = tpu.memref_slice %arg9[%add3A_16, %dma_start3A_124] : memref<10000x128xf32, #tpu.memory_space<vmem_shared>> -> memref<80x128xf32, #tpu.memory_space<vmem_shared>>
      %dma_start3A_126 = arith.constant 0 : i32
      %dma_start3A_127 = arith.constant 0 : i32
      %dma_start3A_128 = tpu.memref_slice %arg7[%dma_start3A_126, %dma_start3A_127] : memref<128x128xf32, #tpu.memory_space<vmem>> -> memref<80x128xf32, #tpu.memory_space<vmem>>
      tpu.enqueue_dma source(%dma_start3A_128 : memref<80x128xf32, #tpu.memory_space<vmem>>) target(%dma_start3A_125 : memref<80x128xf32, #tpu.memory_space<vmem_shared>>) target_semaphore(%run_scoped3A_119 : memref<!tpu.dma_semaphore, #tpu.memory_space<semaphore_mem>>)
      %dma_wait3A = arith.constant 0 : i32
      %dma_wait3A_129 = arith.constant 0 : i32
      %dma_wait3A_130 = tpu.memref_slice %arg7[%dma_wait3A, %dma_wait3A_129] : memref<128x128xf32, #tpu.memory_space<vmem>> -> memref<80x128xf32, #tpu.memory_space<vmem>>
      %dma_wait3A_131 = arith.constant 0 : i32
      %dma_wait3A_132 = tpu.memref_slice %arg9[%add3A_16, %dma_wait3A_131] : memref<10000x128xf32, #tpu.memory_space<vmem_shared>> -> memref<80x128xf32, #tpu.memory_space<vmem_shared>>
      %dma_wait3A_133 = arith.constant 0 : i32
      %dma_wait3A_134 = tpu.memref_slice %arg9[%add3A_16, %dma_wait3A_133] : memref<10000x128xf32, #tpu.memory_space<vmem_shared>> -> memref<80x128xf32, #tpu.memory_space<vmem_shared>>
      %dma_wait3A_135 = arith.constant 0 : i32
      %dma_wait3A_136 = arith.constant 0 : i32
      %dma_wait3A_137 = tpu.memref_slice %arg7[%dma_wait3A_135, %dma_wait3A_136] : memref<128x128xf32, #tpu.memory_space<vmem>> -> memref<80x128xf32, #tpu.memory_space<vmem>>
      tpu.wait_dma2 semaphore(%run_scoped3A_119 : memref<!tpu.dma_semaphore, #tpu.memory_space<semaphore_mem>>) src(%dma_wait3A_137 : memref<80x128xf32, #tpu.memory_space<vmem>>) dst(%dma_wait3A_134 : memref<80x128xf32, #tpu.memory_space<vmem_shared>>)
      tpu.yield
    }) : () -> ()
    %add3A_17 = arith.constant 80 : i32
    %add3A_18 = arith.addi %mul3A_14, %add3A_17 : i32
    "tpu.region"() ({
      %run_scoped3A_119 = tpu.sem_alloc : memref<!tpu.dma_semaphore, #tpu.memory_space<semaphore_mem>>
      %dma_start3A = arith.constant 0 : i32
      %dma_start3A_120 = arith.constant 0 : i32
      %dma_start3A_121 = tpu.memref_slice %arg7[%dma_start3A, %dma_start3A_120] : memref<128x128xf32, #tpu.memory_space<vmem>> -> memref<80x128xf32, #tpu.memory_space<vmem>>
      %dma_start3A_122 = arith.constant 0 : i32
      %dma_start3A_123 = tpu.memref_slice %arg9[%add3A_18, %dma_start3A_122] : memref<10000x128xf32, #tpu.memory_space<vmem_shared>> -> memref<80x128xf32, #tpu.memory_space<vmem_shared>>
      %dma_start3A_124 = arith.constant 0 : i32
      %dma_start3A_125 = tpu.memref_slice %arg9[%add3A_18, %dma_start3A_124] : memref<10000x128xf32, #tpu.memory_space<vmem_shared>> -> memref<80x128xf32, #tpu.memory_space<vmem_shared>>
      %dma_start3A_126 = arith.constant 0 : i32
      %dma_start3A_127 = arith.constant 0 : i32
      %dma_start3A_128 = tpu.memref_slice %arg7[%dma_start3A_126, %dma_start3A_127] : memref<128x128xf32, #tpu.memory_space<vmem>> -> memref<80x128xf32, #tpu.memory_space<vmem>>
      tpu.enqueue_dma source(%dma_start3A_128 : memref<80x128xf32, #tpu.memory_space<vmem>>) target(%dma_start3A_125 : memref<80x128xf32, #tpu.memory_space<vmem_shared>>) target_semaphore(%run_scoped3A_119 : memref<!tpu.dma_semaphore, #tpu.memory_space<semaphore_mem>>)
      %dma_wait3A = arith.constant 0 : i32
      %dma_wait3A_129 = arith.constant 0 : i32
      %dma_wait3A_130 = tpu.memref_slice %arg7[%dma_wait3A, %dma_wait3A_129] : memref<128x128xf32, #tpu.memory_space<vmem>> -> memref<80x128xf32, #tpu.memory_space<vmem>>
      %dma_wait3A_131 = arith.constant 0 : i32
      %dma_wait3A_132 = tpu.memref_slice %arg9[%add3A_18, %dma_wait3A_131] : memref<10000x128xf32, #tpu.memory_space<vmem_shared>> -> memref<80x128xf32, #tpu.memory_space<vmem_shared>>
      %dma_wait3A_133 = arith.constant 0 : i32
      %dma_wait3A_134 = tpu.memref_slice %arg9[%add3A_18, %dma_wait3A_133] : memref<10000x128xf32, #tpu.memory_space<vmem_shared>> -> memref<80x128xf32, #tpu.memory_space<vmem_shared>>
      %dma_wait3A_135 = arith.constant 0 : i32
      %dma_wait3A_136 = arith.constant 0 : i32
      %dma_wait3A_137 = tpu.memref_slice %arg7[%dma_wait3A_135, %dma_wait3A_136] : memref<128x128xf32, #tpu.memory_space<vmem>> -> memref<80x128xf32, #tpu.memory_space<vmem>>
      tpu.wait_dma2 semaphore(%run_scoped3A_119 : memref<!tpu.dma_semaphore, #tpu.memory_space<semaphore_mem>>) src(%dma_wait3A_137 : memref<80x128xf32, #tpu.memory_space<vmem>>) dst(%dma_wait3A_134 : memref<80x128xf32, #tpu.memory_space<vmem_shared>>)
      tpu.yield
    }) : () -> ()
    %add3A_19 = arith.constant 160 : i32
    %add3A_20 = arith.addi %mul3A_14, %add3A_19 : i32
    "tpu.region"() ({
      %run_scoped3A_119 = tpu.sem_alloc : memref<!tpu.dma_semaphore, #tpu.memory_space<semaphore_mem>>
      %dma_start3A = arith.constant 0 : i32
      %dma_start3A_120 = arith.constant 0 : i32
      %dma_start3A_121 = tpu.memref_slice %arg7[%dma_start3A, %dma_start3A_120] : memref<128x128xf32, #tpu.memory_space<vmem>> -> memref<80x128xf32, #tpu.memory_space<vmem>>
      %dma_start3A_122 = arith.constant 0 : i32
      %dma_start3A_123 = tpu.memref_slice %arg9[%add3A_20, %dma_start3A_122] : memref<10000x128xf32, #tpu.memory_space<vmem_shared>> -> memref<80x128xf32, #tpu.memory_space<vmem_shared>>
      %dma_start3A_124 = arith.constant 0 : i32
      %dma_start3A_125 = tpu.memref_slice %arg9[%add3A_20, %dma_start3A_124] : memref<10000x128xf32, #tpu.memory_space<vmem_shared>> -> memref<80x128xf32, #tpu.memory_space<vmem_shared>>
      %dma_start3A_126 = arith.constant 0 : i32
      %dma_start3A_127 = arith.constant 0 : i32
      %dma_start3A_128 = tpu.memref_slice %arg7[%dma_start3A_126, %dma_start3A_127] : memref<128x128xf32, #tpu.memory_space<vmem>> -> memref<80x128xf32, #tpu.memory_space<vmem>>
      tpu.enqueue_dma source(%dma_start3A_128 : memref<80x128xf32, #tpu.memory_space<vmem>>) target(%dma_start3A_125 : memref<80x128xf32, #tpu.memory_space<vmem_shared>>) target_semaphore(%run_scoped3A_119 : memref<!tpu.dma_semaphore, #tpu.memory_space<semaphore_mem>>)
      %dma_wait3A = arith.constant 0 : i32
      %dma_wait3A_129 = arith.constant 0 : i32
      %dma_wait3A_130 = tpu.memref_slice %arg7[%dma_wait3A, %dma_wait3A_129] : memref<128x128xf32, #tpu.memory_space<vmem>> -> memref<80x128xf32, #tpu.memory_space<vmem>>
      %dma_wait3A_131 = arith.constant 0 : i32
      %dma_wait3A_132 = tpu.memref_slice %arg9[%add3A_20, %dma_wait3A_131] : memref<10000x128xf32, #tpu.memory_space<vmem_shared>> -> memref<80x128xf32, #tpu.memory_space<vmem_shared>>
      %dma_wait3A_133 = arith.constant 0 : i32
      %dma_wait3A_134 = tpu.memref_slice %arg9[%add3A_20, %dma_wait3A_133] : memref<10000x128xf32, #tpu.memory_space<vmem_shared>> -> memref<80x128xf32, #tpu.memory_space<vmem_shared>>
      %dma_wait3A_135 = arith.constant 0 : i32
      %dma_wait3A_136 = arith.constant 0 : i32
      %dma_wait3A_137 = tpu.memref_slice %arg7[%dma_wait3A_135, %dma_wait3A_136] : memref<128x128xf32, #tpu.memory_space<vmem>> -> memref<80x128xf32, #tpu.memory_space<vmem>>
      tpu.wait_dma2 semaphore(%run_scoped3A_119 : memref<!tpu.dma_semaphore, #tpu.memory_space<semaphore_mem>>) src(%dma_wait3A_137 : memref<80x128xf32, #tpu.memory_space<vmem>>) dst(%dma_wait3A_134 : memref<80x128xf32, #tpu.memory_space<vmem_shared>>)
      tpu.yield
    }) : () -> ()
    %add3A_21 = arith.constant 240 : i32
    %add3A_22 = arith.addi %mul3A_14, %add3A_21 : i32
    "tpu.region"() ({
      %run_scoped3A_119 = tpu.sem_alloc : memref<!tpu.dma_semaphore, #tpu.memory_space<semaphore_mem>>
      %dma_start3A = arith.constant 0 : i32
      %dma_start3A_120 = arith.constant 0 : i32
      %dma_start3A_121 = tpu.memref_slice %arg7[%dma_start3A, %dma_start3A_120] : memref<128x128xf32, #tpu.memory_space<vmem>> -> memref<80x128xf32, #tpu.memory_space<vmem>>
      %dma_start3A_122 = arith.constant 0 : i32
      %dma_start3A_123 = tpu.memref_slice %arg9[%add3A_22, %dma_start3A_122] : memref<10000x128xf32, #tpu.memory_space<vmem_shared>> -> memref<80x128xf32, #tpu.memory_space<vmem_shared>>
      %dma_start3A_124 = arith.constant 0 : i32
      %dma_start3A_125 = tpu.memref_slice %arg9[%add3A_22, %dma_start3A_124] : memref<10000x128xf32, #tpu.memory_space<vmem_shared>> -> memref<80x128xf32, #tpu.memory_space<vmem_shared>>
      %dma_start3A_126 = arith.constant 0 : i32
      %dma_start3A_127 = arith.constant 0 : i32
      %dma_start3A_128 = tpu.memref_slice %arg7[%dma_start3A_126, %dma_start3A_127] : memref<128x128xf32, #tpu.memory_space<vmem>> -> memref<80x128xf32, #tpu.memory_space<vmem>>
      tpu.enqueue_dma source(%dma_start3A_128 : memref<80x128xf32, #tpu.memory_space<vmem>>) target(%dma_start3A_125 : memref<80x128xf32, #tpu.memory_space<vmem_shared>>) target_semaphore(%run_scoped3A_119 : memref<!tpu.dma_semaphore, #tpu.memory_space<semaphore_mem>>)
      %dma_wait3A = arith.constant 0 : i32
      %dma_wait3A_129 = arith.constant 0 : i32
      %dma_wait3A_130 = tpu.memref_slice %arg7[%dma_wait3A, %dma_wait3A_129] : memref<128x128xf32, #tpu.memory_space<vmem>> -> memref<80x128xf32, #tpu.memory_space<vmem>>
      %dma_wait3A_131 = arith.constant 0 : i32
      %dma_wait3A_132 = tpu.memref_slice %arg9[%add3A_22, %dma_wait3A_131] : memref<10000x128xf32, #tpu.memory_space<vmem_shared>> -> memref<80x128xf32, #tpu.memory_space<vmem_shared>>
      %dma_wait3A_133 = arith.constant 0 : i32
      %dma_wait3A_134 = tpu.memref_slice %arg9[%add3A_22, %dma_wait3A_133] : memref<10000x128xf32, #tpu.memory_space<vmem_shared>> -> memref<80x128xf32, #tpu.memory_space<vmem_shared>>
      %dma_wait3A_135 = arith.constant 0 : i32
      %dma_wait3A_136 = arith.constant 0 : i32
      %dma_wait3A_137 = tpu.memref_slice %arg7[%dma_wait3A_135, %dma_wait3A_136] : memref<128x128xf32, #tpu.memory_space<vmem>> -> memref<80x128xf32, #tpu.memory_space<vmem>>
      tpu.wait_dma2 semaphore(%run_scoped3A_119 : memref<!tpu.dma_semaphore, #tpu.memory_space<semaphore_mem>>) src(%dma_wait3A_137 : memref<80x128xf32, #tpu.memory_space<vmem>>) dst(%dma_wait3A_134 : memref<80x128xf32, #tpu.memory_space<vmem_shared>>)
      tpu.yield
    }) : () -> ()
    %add3A_23 = arith.constant 320 : i32
    %add3A_24 = arith.addi %mul3A_14, %add3A_23 : i32
    "tpu.region"() ({
      %run_scoped3A_119 = tpu.sem_alloc : memref<!tpu.dma_semaphore, #tpu.memory_space<semaphore_mem>>
      %dma_start3A = arith.constant 0 : i32
      %dma_start3A_120 = arith.constant 0 : i32
      %dma_start3A_121 = tpu.memref_slice %arg7[%dma_start3A, %dma_start3A_120] : memref<128x128xf32, #tpu.memory_space<vmem>> -> memref<80x128xf32, #tpu.memory_space<vmem>>
      %dma_start3A_122 = arith.constant 0 : i32
      %dma_start3A_123 = tpu.memref_slice %arg9[%add3A_24, %dma_start3A_122] : memref<10000x128xf32, #tpu.memory_space<vmem_shared>> -> memref<80x128xf32, #tpu.memory_space<vmem_shared>>
      %dma_start3A_124 = arith.constant 0 : i32
      %dma_start3A_125 = tpu.memref_slice %arg9[%add3A_24, %dma_start3A_124] : memref<10000x128xf32, #tpu.memory_space<vmem_shared>> -> memref<80x128xf32, #tpu.memory_space<vmem_shared>>
      %dma_start3A_126 = arith.constant 0 : i32
      %dma_start3A_127 = arith.constant 0 : i32
      %dma_start3A_128 = tpu.memref_slice %arg7[%dma_start3A_126, %dma_start3A_127] : memref<128x128xf32, #tpu.memory_space<vmem>> -> memref<80x128xf32, #tpu.memory_space<vmem>>
      tpu.enqueue_dma source(%dma_start3A_128 : memref<80x128xf32, #tpu.memory_space<vmem>>) target(%dma_start3A_125 : memref<80x128xf32, #tpu.memory_space<vmem_shared>>) target_semaphore(%run_scoped3A_119 : memref<!tpu.dma_semaphore, #tpu.memory_space<semaphore_mem>>)
      %dma_wait3A = arith.constant 0 : i32
      %dma_wait3A_129 = arith.constant 0 : i32
      %dma_wait3A_130 = tpu.memref_slice %arg7[%dma_wait3A, %dma_wait3A_129] : memref<128x128xf32, #tpu.memory_space<vmem>> -> memref<80x128xf32, #tpu.memory_space<vmem>>
      %dma_wait3A_131 = arith.constant 0 : i32
      %dma_wait3A_132 = tpu.memref_slice %arg9[%add3A_24, %dma_wait3A_131] : memref<10000x128xf32, #tpu.memory_space<vmem_shared>> -> memref<80x128xf32, #tpu.memory_space<vmem_shared>>
      %dma_wait3A_133 = arith.constant 0 : i32
      %dma_wait3A_134 = tpu.memref_slice %arg9[%add3A_24, %dma_wait3A_133] : memref<10000x128xf32, #tpu.memory_space<vmem_shared>> -> memref<80x128xf32, #tpu.memory_space<vmem_shared>>
      %dma_wait3A_135 = arith.constant 0 : i32
      %dma_wait3A_136 = arith.constant 0 : i32
      %dma_wait3A_137 = tpu.memref_slice %arg7[%dma_wait3A_135, %dma_wait3A_136] : memref<128x128xf32, #tpu.memory_space<vmem>> -> memref<80x128xf32, #tpu.memory_space<vmem>>
      tpu.wait_dma2 semaphore(%run_scoped3A_119 : memref<!tpu.dma_semaphore, #tpu.memory_space<semaphore_mem>>) src(%dma_wait3A_137 : memref<80x128xf32, #tpu.memory_space<vmem>>) dst(%dma_wait3A_134 : memref<80x128xf32, #tpu.memory_space<vmem_shared>>)
      tpu.yield
    }) : () -> ()
    %add3A_25 = arith.constant 400 : i32
    %add3A_26 = arith.addi %mul3A_14, %add3A_25 : i32
    "tpu.region"() ({
      %run_scoped3A_119 = tpu.sem_alloc : memref<!tpu.dma_semaphore, #tpu.memory_space<semaphore_mem>>
      %dma_start3A = arith.constant 0 : i32
      %dma_start3A_120 = arith.constant 0 : i32
      %dma_start3A_121 = tpu.memref_slice %arg7[%dma_start3A, %dma_start3A_120] : memref<128x128xf32, #tpu.memory_space<vmem>> -> memref<80x128xf32, #tpu.memory_space<vmem>>
      %dma_start3A_122 = arith.constant 0 : i32
      %dma_start3A_123 = tpu.memref_slice %arg9[%add3A_26, %dma_start3A_122] : memref<10000x128xf32, #tpu.memory_space<vmem_shared>> -> memref<80x128xf32, #tpu.memory_space<vmem_shared>>
      %dma_start3A_124 = arith.constant 0 : i32
      %dma_start3A_125 = tpu.memref_slice %arg9[%add3A_26, %dma_start3A_124] : memref<10000x128xf32, #tpu.memory_space<vmem_shared>> -> memref<80x128xf32, #tpu.memory_space<vmem_shared>>
      %dma_start3A_126 = arith.constant 0 : i32
      %dma_start3A_127 = arith.constant 0 : i32
      %dma_start3A_128 = tpu.memref_slice %arg7[%dma_start3A_126, %dma_start3A_127] : memref<128x128xf32, #tpu.memory_space<vmem>> -> memref<80x128xf32, #tpu.memory_space<vmem>>
      tpu.enqueue_dma source(%dma_start3A_128 : memref<80x128xf32, #tpu.memory_space<vmem>>) target(%dma_start3A_125 : memref<80x128xf32, #tpu.memory_space<vmem_shared>>) target_semaphore(%run_scoped3A_119 : memref<!tpu.dma_semaphore, #tpu.memory_space<semaphore_mem>>)
      %dma_wait3A = arith.constant 0 : i32
      %dma_wait3A_129 = arith.constant 0 : i32
      %dma_wait3A_130 = tpu.memref_slice %arg7[%dma_wait3A, %dma_wait3A_129] : memref<128x128xf32, #tpu.memory_space<vmem>> -> memref<80x128xf32, #tpu.memory_space<vmem>>
      %dma_wait3A_131 = arith.constant 0 : i32
      %dma_wait3A_132 = tpu.memref_slice %arg9[%add3A_26, %dma_wait3A_131] : memref<10000x128xf32, #tpu.memory_space<vmem_shared>> -> memref<80x128xf32, #tpu.memory_space<vmem_shared>>
      %dma_wait3A_133 = arith.constant 0 : i32
      %dma_wait3A_134 = tpu.memref_slice %arg9[%add3A_26, %dma_wait3A_133] : memref<10000x128xf32, #tpu.memory_space<vmem_shared>> -> memref<80x128xf32, #tpu.memory_space<vmem_shared>>
      %dma_wait3A_135 = arith.constant 0 : i32
      %dma_wait3A_136 = arith.constant 0 : i32
      %dma_wait3A_137 = tpu.memref_slice %arg7[%dma_wait3A_135, %dma_wait3A_136] : memref<128x128xf32, #tpu.memory_space<vmem>> -> memref<80x128xf32, #tpu.memory_space<vmem>>
      tpu.wait_dma2 semaphore(%run_scoped3A_119 : memref<!tpu.dma_semaphore, #tpu.memory_space<semaphore_mem>>) src(%dma_wait3A_137 : memref<80x128xf32, #tpu.memory_space<vmem>>) dst(%dma_wait3A_134 : memref<80x128xf32, #tpu.memory_space<vmem_shared>>)
      tpu.yield
    }) : () -> ()
    %add3A_27 = arith.constant 480 : i32
    %add3A_28 = arith.addi %mul3A_14, %add3A_27 : i32
    "tpu.region"() ({
      %run_scoped3A_119 = tpu.sem_alloc : memref<!tpu.dma_semaphore, #tpu.memory_space<semaphore_mem>>
      %dma_start3A = arith.constant 0 : i32
      %dma_start3A_120 = arith.constant 0 : i32
      %dma_start3A_121 = tpu.memref_slice %arg7[%dma_start3A, %dma_start3A_120] : memref<128x128xf32, #tpu.memory_space<vmem>> -> memref<80x128xf32, #tpu.memory_space<vmem>>
      %dma_start3A_122 = arith.constant 0 : i32
      %dma_start3A_123 = tpu.memref_slice %arg9[%add3A_28, %dma_start3A_122] : memref<10000x128xf32, #tpu.memory_space<vmem_shared>> -> memref<80x128xf32, #tpu.memory_space<vmem_shared>>
      %dma_start3A_124 = arith.constant 0 : i32
      %dma_start3A_125 = tpu.memref_slice %arg9[%add3A_28, %dma_start3A_124] : memref<10000x128xf32, #tpu.memory_space<vmem_shared>> -> memref<80x128xf32, #tpu.memory_space<vmem_shared>>
      %dma_start3A_126 = arith.constant 0 : i32
      %dma_start3A_127 = arith.constant 0 : i32
      %dma_start3A_128 = tpu.memref_slice %arg7[%dma_start3A_126, %dma_start3A_127] : memref<128x128xf32, #tpu.memory_space<vmem>> -> memref<80x128xf32, #tpu.memory_space<vmem>>
      tpu.enqueue_dma source(%dma_start3A_128 : memref<80x128xf32, #tpu.memory_space<vmem>>) target(%dma_start3A_125 : memref<80x128xf32, #tpu.memory_space<vmem_shared>>) target_semaphore(%run_scoped3A_119 : memref<!tpu.dma_semaphore, #tpu.memory_space<semaphore_mem>>)
      %dma_wait3A = arith.constant 0 : i32
      %dma_wait3A_129 = arith.constant 0 : i32
      %dma_wait3A_130 = tpu.memref_slice %arg7[%dma_wait3A, %dma_wait3A_129] : memref<128x128xf32, #tpu.memory_space<vmem>> -> memref<80x128xf32, #tpu.memory_space<vmem>>
      %dma_wait3A_131 = arith.constant 0 : i32
      %dma_wait3A_132 = tpu.memref_slice %arg9[%add3A_28, %dma_wait3A_131] : memref<10000x128xf32, #tpu.memory_space<vmem_shared>> -> memref<80x128xf32, #tpu.memory_space<vmem_shared>>
      %dma_wait3A_133 = arith.constant 0 : i32
      %dma_wait3A_134 = tpu.memref_slice %arg9[%add3A_28, %dma_wait3A_133] : memref<10000x128xf32, #tpu.memory_space<vmem_shared>> -> memref<80x128xf32, #tpu.memory_space<vmem_shared>>
      %dma_wait3A_135 = arith.constant 0 : i32
      %dma_wait3A_136 = arith.constant 0 : i32
      %dma_wait3A_137 = tpu.memref_slice %arg7[%dma_wait3A_135, %dma_wait3A_136] : memref<128x128xf32, #tpu.memory_space<vmem>> -> memref<80x128xf32, #tpu.memory_space<vmem>>
      tpu.wait_dma2 semaphore(%run_scoped3A_119 : memref<!tpu.dma_semaphore, #tpu.memory_space<semaphore_mem>>) src(%dma_wait3A_137 : memref<80x128xf32, #tpu.memory_space<vmem>>) dst(%dma_wait3A_134 : memref<80x128xf32, #tpu.memory_space<vmem_shared>>)
      tpu.yield
    }) : () -> ()
    %add3A_29 = arith.constant 560 : i32
    %add3A_30 = arith.addi %mul3A_14, %add3A_29 : i32
    "tpu.region"() ({
      %run_scoped3A_119 = tpu.sem_alloc : memref<!tpu.dma_semaphore, #tpu.memory_space<semaphore_mem>>
      %dma_start3A = arith.constant 0 : i32
      %dma_start3A_120 = arith.constant 0 : i32
      %dma_start3A_121 = tpu.memref_slice %arg7[%dma_start3A, %dma_start3A_120] : memref<128x128xf32, #tpu.memory_space<vmem>> -> memref<80x128xf32, #tpu.memory_space<vmem>>
      %dma_start3A_122 = arith.constant 0 : i32
      %dma_start3A_123 = tpu.memref_slice %arg9[%add3A_30, %dma_start3A_122] : memref<10000x128xf32, #tpu.memory_space<vmem_shared>> -> memref<80x128xf32, #tpu.memory_space<vmem_shared>>
      %dma_start3A_124 = arith.constant 0 : i32
      %dma_start3A_125 = tpu.memref_slice %arg9[%add3A_30, %dma_start3A_124] : memref<10000x128xf32, #tpu.memory_space<vmem_shared>> -> memref<80x128xf32, #tpu.memory_space<vmem_shared>>
      %dma_start3A_126 = arith.constant 0 : i32
      %dma_start3A_127 = arith.constant 0 : i32
      %dma_start3A_128 = tpu.memref_slice %arg7[%dma_start3A_126, %dma_start3A_127] : memref<128x128xf32, #tpu.memory_space<vmem>> -> memref<80x128xf32, #tpu.memory_space<vmem>>
      tpu.enqueue_dma source(%dma_start3A_128 : memref<80x128xf32, #tpu.memory_space<vmem>>) target(%dma_start3A_125 : memref<80x128xf32, #tpu.memory_space<vmem_shared>>) target_semaphore(%run_scoped3A_119 : memref<!tpu.dma_semaphore, #tpu.memory_space<semaphore_mem>>)
      %dma_wait3A = arith.constant 0 : i32
      %dma_wait3A_129 = arith.constant 0 : i32
      %dma_wait3A_130 = tpu.memref_slice %arg7[%dma_wait3A, %dma_wait3A_129] : memref<128x128xf32, #tpu.memory_space<vmem>> -> memref<80x128xf32, #tpu.memory_space<vmem>>
      %dma_wait3A_131 = arith.constant 0 : i32
      %dma_wait3A_132 = tpu.memref_slice %arg9[%add3A_30, %dma_wait3A_131] : memref<10000x128xf32, #tpu.memory_space<vmem_shared>> -> memref<80x128xf32, #tpu.memory_space<vmem_shared>>
      %dma_wait3A_133 = arith.constant 0 : i32
      %dma_wait3A_134 = tpu.memref_slice %arg9[%add3A_30, %dma_wait3A_133] : memref<10000x128xf32, #tpu.memory_space<vmem_shared>> -> memref<80x128xf32, #tpu.memory_space<vmem_shared>>
      %dma_wait3A_135 = arith.constant 0 : i32
      %dma_wait3A_136 = arith.constant 0 : i32
      %dma_wait3A_137 = tpu.memref_slice %arg7[%dma_wait3A_135, %dma_wait3A_136] : memref<128x128xf32, #tpu.memory_space<vmem>> -> memref<80x128xf32, #tpu.memory_space<vmem>>
      tpu.wait_dma2 semaphore(%run_scoped3A_119 : memref<!tpu.dma_semaphore, #tpu.memory_space<semaphore_mem>>) src(%dma_wait3A_137 : memref<80x128xf32, #tpu.memory_space<vmem>>) dst(%dma_wait3A_134 : memref<80x128xf32, #tpu.memory_space<vmem_shared>>)
      tpu.yield
    }) : () -> ()
    %barrier3A = arith.constant 0 : index
    tpu.barrier barrier_id(%barrier3A)
    %sub3A_31 = arith.constant 0 : i32
    %sub3A_32 = arith.subi %min3A, %sub3A_31 : i32
    %jit3A_33 = arith.constant 0 : i32
    %jit3A_34 = arith.constant 40 : i32
    %max3A_35 = arith.maxsi %jit3A_33, %sub3A_32 : i32
    %min3A_36 = arith.minsi %jit3A_34, %max3A_35 : i32
    %jit3A_37 = arith.constant 2 : i32
    %div3A = arith.divsi %min3A_36, %jit3A_37 : i32
    %sign3A = arith.constant 0 : i32
    %sign3A_38 = arith.cmpi sgt, %min3A_36, %sign3A : i32
    %sign3A_39 = arith.extui %sign3A_38 : i1 to i32
    %sign3A_40 = arith.constant 0 : i32
    %sign3A_41 = arith.cmpi slt, %min3A_36, %sign3A_40 : i32
    %sign3A_42 = arith.extui %sign3A_41 : i1 to i32
    %sign3A_43 = arith.subi %sign3A_39, %sign3A_42 : i32
    %sign3A_44 = arith.constant 0 : i32
    %sign3A_45 = arith.cmpi sgt, %jit3A_37, %sign3A_44 : i32
    %sign3A_46 = arith.extui %sign3A_45 : i1 to i32
    %sign3A_47 = arith.constant 0 : i32
    %sign3A_48 = arith.cmpi slt, %jit3A_37, %sign3A_47 : i32
    %sign3A_49 = arith.extui %sign3A_48 : i1 to i32
    %sign3A_50 = arith.subi %sign3A_46, %sign3A_49 : i32
    %ne3A = arith.cmpi ne, %sign3A_43, %sign3A_50 : i32
    %rem3A = arith.remsi %min3A_36, %jit3A_37 : i32
    %ne3A_51 = arith.constant 0 : i32
    %ne3A_52 = arith.cmpi ne, %rem3A, %ne3A_51 : i32
    %and3A = arith.andi %ne3A, %ne3A_52 : i1
    %sub3A_53 = arith.constant 1 : i32
    %sub3A_54 = arith.subi %div3A, %sub3A_53 : i32
    %select_n3A = arith.select %and3A, %sub3A_54, %div3A : i32
    %gt3A_55 = arith.constant 0 : i32
    %gt3A_56 = arith.cmpi sgt, %min3A_36, %gt3A_55 : i32
    %and3A_57 = arith.constant false
    %and3A_58 = arith.andi %and3A_57, %gt3A_56 : i1
    %convert_element_type3A_59 = arith.extui %and3A_58 : i1 to i32
    %cond3A_60 = arith.constant 0 : i32
    %cond3A_61 = arith.cmpi ne, %convert_element_type3A_59, %cond3A_60 : i32
    scf.if %cond3A_61 {
      %run_scoped3A_119 = arith.constant 0 : i32
      "tpu.region"() ({
        %run_scoped3A_127 = tpu.sem_alloc : memref<!tpu.dma_semaphore, #tpu.memory_space<semaphore_mem>>
        %dma_start3A_128 = arith.constant 40 : i32
        %dma_start3A_129 = arith.constant 0 : i32
        %dma_start3A_130 = tpu.memref_slice %arg2[%run_scoped3A_119, %arg0, %arg1, %dma_start3A_128, %dma_start3A_129] : memref<2x2x16x80x128xi32, #tpu.memory_space<hbm>> -> memref<1x1x1x40x128xi32, #tpu.memory_space<hbm>>
        %dma_start3A_131 = tpu.memref_squeeze %dma_start3A_130 : memref<1x1x1x40x128xi32, #tpu.memory_space<hbm>> -> memref<40x128xi32, #tpu.memory_space<hbm>>
        %dma_start3A_132 = arith.constant 40 : i32
        %dma_start3A_133 = arith.constant 0 : i32
        %dma_start3A_134 = tpu.memref_slice %arg2[%run_scoped3A_119, %arg0, %arg1, %dma_start3A_132, %dma_start3A_133] : memref<2x2x16x80x128xi32, #tpu.memory_space<hbm>> -> memref<1x1x1x40x128xi32, #tpu.memory_space<hbm>>
        %dma_start3A_135 = tpu.memref_squeeze %dma_start3A_134 : memref<1x1x1x40x128xi32, #tpu.memory_space<hbm>> -> memref<40x128xi32, #tpu.memory_space<hbm>>
        tpu.enqueue_dma source(%dma_start3A_135 : memref<40x128xi32, #tpu.memory_space<hbm>>) target(%arg5 : memref<40x128xi32, #tpu.memory_space<vmem>>) target_semaphore(%run_scoped3A_127 : memref<!tpu.dma_semaphore, #tpu.memory_space<semaphore_mem>>)
        %dma_wait3A = arith.constant 40 : i32
        %dma_wait3A_136 = arith.constant 0 : i32
        %dma_wait3A_137 = tpu.memref_slice %arg2[%run_scoped3A_119, %arg0, %arg1, %dma_wait3A, %dma_wait3A_136] : memref<2x2x16x80x128xi32, #tpu.memory_space<hbm>> -> memref<1x1x1x40x128xi32, #tpu.memory_space<hbm>>
        %dma_wait3A_138 = tpu.memref_squeeze %dma_wait3A_137 : memref<1x1x1x40x128xi32, #tpu.memory_space<hbm>> -> memref<40x128xi32, #tpu.memory_space<hbm>>
        %dma_wait3A_139 = arith.constant 40 : i32
        %dma_wait3A_140 = arith.constant 0 : i32
        %dma_wait3A_141 = tpu.memref_slice %arg2[%run_scoped3A_119, %arg0, %arg1, %dma_wait3A_139, %dma_wait3A_140] : memref<2x2x16x80x128xi32, #tpu.memory_space<hbm>> -> memref<1x1x1x40x128xi32, #tpu.memory_space<hbm>>
        %dma_wait3A_142 = tpu.memref_squeeze %dma_wait3A_141 : memref<1x1x1x40x128xi32, #tpu.memory_space<hbm>> -> memref<40x128xi32, #tpu.memory_space<hbm>>
        tpu.wait_dma2 semaphore(%run_scoped3A_127 : memref<!tpu.dma_semaphore, #tpu.memory_space<semaphore_mem>>) src(%dma_wait3A_142 : memref<40x128xi32, #tpu.memory_space<hbm>>) dst(%arg5 : memref<40x128xi32, #tpu.memory_space<vmem>>)
        tpu.yield
      }) : () -> ()
      %run_scoped3A_120 = arith.constant 1 : i32
      "tpu.region"() ({
        %run_scoped3A_127 = tpu.sem_alloc : memref<!tpu.dma_semaphore, #tpu.memory_space<semaphore_mem>>
        %dma_start3A_128 = arith.constant 40 : i32
        %dma_start3A_129 = arith.constant 0 : i32
        %dma_start3A_130 = tpu.memref_slice %arg2[%run_scoped3A_120, %arg0, %arg1, %dma_start3A_128, %dma_start3A_129] : memref<2x2x16x80x128xi32, #tpu.memory_space<hbm>> -> memref<1x1x1x40x128xi32, #tpu.memory_space<hbm>>
        %dma_start3A_131 = tpu.memref_squeeze %dma_start3A_130 : memref<1x1x1x40x128xi32, #tpu.memory_space<hbm>> -> memref<40x128xi32, #tpu.memory_space<hbm>>
        %dma_start3A_132 = arith.constant 40 : i32
        %dma_start3A_133 = arith.constant 0 : i32
        %dma_start3A_134 = tpu.memref_slice %arg2[%run_scoped3A_120, %arg0, %arg1, %dma_start3A_132, %dma_start3A_133] : memref<2x2x16x80x128xi32, #tpu.memory_space<hbm>> -> memref<1x1x1x40x128xi32, #tpu.memory_space<hbm>>
        %dma_start3A_135 = tpu.memref_squeeze %dma_start3A_134 : memref<1x1x1x40x128xi32, #tpu.memory_space<hbm>> -> memref<40x128xi32, #tpu.memory_space<hbm>>
        tpu.enqueue_dma source(%dma_start3A_135 : memref<40x128xi32, #tpu.memory_space<hbm>>) target(%arg6 : memref<40x128xi32, #tpu.memory_space<vmem>>) target_semaphore(%run_scoped3A_127 : memref<!tpu.dma_semaphore, #tpu.memory_space<semaphore_mem>>)
        %dma_wait3A = arith.constant 40 : i32
        %dma_wait3A_136 = arith.constant 0 : i32
        %dma_wait3A_137 = tpu.memref_slice %arg2[%run_scoped3A_120, %arg0, %arg1, %dma_wait3A, %dma_wait3A_136] : memref<2x2x16x80x128xi32, #tpu.memory_space<hbm>> -> memref<1x1x1x40x128xi32, #tpu.memory_space<hbm>>
        %dma_wait3A_138 = tpu.memref_squeeze %dma_wait3A_137 : memref<1x1x1x40x128xi32, #tpu.memory_space<hbm>> -> memref<40x128xi32, #tpu.memory_space<hbm>>
        %dma_wait3A_139 = arith.constant 40 : i32
        %dma_wait3A_140 = arith.constant 0 : i32
        %dma_wait3A_141 = tpu.memref_slice %arg2[%run_scoped3A_120, %arg0, %arg1, %dma_wait3A_139, %dma_wait3A_140] : memref<2x2x16x80x128xi32, #tpu.memory_space<hbm>> -> memref<1x1x1x40x128xi32, #tpu.memory_space<hbm>>
        %dma_wait3A_142 = tpu.memref_squeeze %dma_wait3A_141 : memref<1x1x1x40x128xi32, #tpu.memory_space<hbm>> -> memref<40x128xi32, #tpu.memory_space<hbm>>
        tpu.wait_dma2 semaphore(%run_scoped3A_127 : memref<!tpu.dma_semaphore, #tpu.memory_space<semaphore_mem>>) src(%dma_wait3A_142 : memref<40x128xi32, #tpu.memory_space<hbm>>) dst(%arg6 : memref<40x128xi32, #tpu.memory_space<vmem>>)
        tpu.yield
      }) : () -> ()
      %dma_start3A = arith.constant 0 : i32
      %dma_start3A_121 = arith.constant 0 : i32
      %dma_start3A_122 = tpu.memref_slice %arg5[%dma_start3A, %dma_start3A_121] : memref<40x128xi32, #tpu.memory_space<vmem>> -> memref<1x128xi32, #tpu.memory_space<vmem>>
      %dma_start3A_123 = tpu.memref_squeeze %dma_start3A_122 : memref<1x128xi32, #tpu.memory_space<vmem>> -> memref<128xi32, #tpu.memory_space<vmem>>
      %dma_start3A_124 = arith.constant 0 : i32
      %dma_start3A_125 = arith.constant 0 : i32
      %dma_start3A_126 = tpu.memref_slice %arg3[%dma_start3A_124, %dma_start3A_125] : memref<10000x128xf32, #tpu.memory_space<hbm>> -> memref<10000x128xf32, #tpu.memory_space<hbm>>
      tpu.enqueue_indirect_dma source(%dma_start3A_126 : memref<10000x128xf32, #tpu.memory_space<hbm>>) target(%arg8 : memref<128x128xf32, #tpu.memory_space<vmem>>) offsets(%dma_start3A_123 : memref<128xi32, #tpu.memory_space<vmem>>) semaphore(%arg11 : memref<!tpu.dma_semaphore, #tpu.memory_space<semaphore_mem>>)
    } else {
    }
    %while3A = arith.constant 0 : i32
    %while3A_62 = arith.constant 0 : i32
    %while3A_63 = arith.subi %select_n3A, %while3A_62 : i32
    %while3A_64 = arith.addi %while3A_62, %while3A_63 : i32
    %while3A_65 = arith.constant 1 : i32
    %while3A_66 = arith.divsi %while3A_63, %while3A_65 : i32
    %while3A_67 = arith.muli %while3A_66, %while3A_65 : i32
    %while3A_68 = arith.addi %while3A_62, %while3A_67 : i32
    %while3A_69 = arith.constant 1 : i32
    scf.for %while3A_119 = %while3A_62 to %while3A_68 step %while3A_69  : i32 {
      %mul3A_120 = arith.constant 2 : i32
      %mul3A_121 = arith.muli %mul3A_120, %while3A_119 : i32
      %add3A_122 = arith.constant 1 : i32
      %add3A_123 = arith.addi %mul3A_121, %add3A_122 : i32
      %dma_start3A = arith.constant 0 : i32
      %dma_start3A_124 = tpu.memref_slice %arg5[%add3A_123, %dma_start3A] : memref<40x128xi32, #tpu.memory_space<vmem>> -> memref<1x128xi32, #tpu.memory_space<vmem>>
      %dma_start3A_125 = tpu.memref_squeeze %dma_start3A_124 : memref<1x128xi32, #tpu.memory_space<vmem>> -> memref<128xi32, #tpu.memory_space<vmem>>
      %dma_start3A_126 = arith.constant 0 : i32
      %dma_start3A_127 = arith.constant 0 : i32
      %dma_start3A_128 = tpu.memref_slice %arg3[%dma_start3A_126, %dma_start3A_127] : memref<10000x128xf32, #tpu.memory_space<hbm>> -> memref<10000x128xf32, #tpu.memory_space<hbm>>
      tpu.enqueue_indirect_dma source(%dma_start3A_128 : memref<10000x128xf32, #tpu.memory_space<hbm>>) target(%arg7 : memref<128x128xf32, #tpu.memory_space<vmem>>) offsets(%dma_start3A_125 : memref<128xi32, #tpu.memory_space<vmem>>) semaphore(%arg10 : memref<!tpu.dma_semaphore, #tpu.memory_space<semaphore_mem>>)
      %dma_wait3A = arith.constant 0 : i32
      %dma_wait3A_129 = arith.constant 0 : i32
      %dma_wait3A_130 = tpu.memref_slice %arg5[%dma_wait3A, %dma_wait3A_129] : memref<40x128xi32, #tpu.memory_space<vmem>> -> memref<1x128xi32, #tpu.memory_space<vmem>>
      %dma_wait3A_131 = tpu.memref_squeeze %dma_wait3A_130 : memref<1x128xi32, #tpu.memory_space<vmem>> -> memref<128xi32, #tpu.memory_space<vmem>>
      %dma_wait3A_132 = arith.constant 0 : i32
      %dma_wait3A_133 = arith.constant 0 : i32
      %dma_wait3A_134 = tpu.memref_slice %arg3[%dma_wait3A_132, %dma_wait3A_133] : memref<10000x128xf32, #tpu.memory_space<hbm>> -> memref<10000x128xf32, #tpu.memory_space<hbm>>
      tpu.wait_indirect_dma semaphore(%arg11 : memref<!tpu.dma_semaphore, #tpu.memory_space<semaphore_mem>>) src(%dma_wait3A_134 : memref<10000x128xf32, #tpu.memory_space<hbm>>) dst(%arg8 : memref<128x128xf32, #tpu.memory_space<vmem>>)
      %mul3A_135 = arith.constant 2 : i32
      %mul3A_136 = arith.muli %mul3A_135, %while3A_119 : i32
      "tpu.region"() ({
        %run_scoped3A_153 = tpu.sem_alloc : memref<!tpu.dma_semaphore, #tpu.memory_space<semaphore_mem>>
        %dma_start3A_154 = arith.constant 0 : i32
        %dma_start3A_155 = tpu.memref_slice %arg6[%mul3A_136, %dma_start3A_154] : memref<40x128xi32, #tpu.memory_space<vmem>> -> memref<1x128xi32, #tpu.memory_space<vmem>>
        %dma_start3A_156 = tpu.memref_squeeze %dma_start3A_155 : memref<1x128xi32, #tpu.memory_space<vmem>> -> memref<128xi32, #tpu.memory_space<vmem>>
        %dma_start3A_157 = arith.constant 0 : i32
        %dma_start3A_158 = arith.constant 0 : i32
        %dma_start3A_159 = tpu.memref_slice %arg9[%dma_start3A_157, %dma_start3A_158] : memref<10000x128xf32, #tpu.memory_space<vmem_shared>> -> memref<10000x128xf32, #tpu.memory_space<vmem_shared>>
        tpu.enqueue_indirect_dma source(%arg8 : memref<128x128xf32, #tpu.memory_space<vmem>>) target(%dma_start3A_159 : memref<10000x128xf32, #tpu.memory_space<vmem_shared>>) offsets(%dma_start3A_156 : memref<128xi32, #tpu.memory_space<vmem>>) semaphore(%run_scoped3A_153 : memref<!tpu.dma_semaphore, #tpu.memory_space<semaphore_mem>>) {add = true}
        %dma_wait3A_160 = arith.constant 0 : i32
        %dma_wait3A_161 = tpu.memref_slice %arg6[%mul3A_136, %dma_wait3A_160] : memref<40x128xi32, #tpu.memory_space<vmem>> -> memref<1x128xi32, #tpu.memory_space<vmem>>
        %dma_wait3A_162 = tpu.memref_squeeze %dma_wait3A_161 : memref<1x128xi32, #tpu.memory_space<vmem>> -> memref<128xi32, #tpu.memory_space<vmem>>
        %dma_wait3A_163 = arith.constant 0 : i32
        %dma_wait3A_164 = arith.constant 0 : i32
        %dma_wait3A_165 = tpu.memref_slice %arg9[%dma_wait3A_163, %dma_wait3A_164] : memref<10000x128xf32, #tpu.memory_space<vmem_shared>> -> memref<10000x128xf32, #tpu.memory_space<vmem_shared>>
        tpu.wait_indirect_dma semaphore(%run_scoped3A_153 : memref<!tpu.dma_semaphore, #tpu.memory_space<semaphore_mem>>) src(%arg8 : memref<128x128xf32, #tpu.memory_space<vmem>>) dst(%dma_wait3A_165 : memref<10000x128xf32, #tpu.memory_space<vmem_shared>>)
        tpu.yield
      }) : () -> ()
      %sub3A_137 = arith.constant 1 : i32
      %sub3A_138 = arith.subi %select_n3A, %sub3A_137 : i32
      %lt3A = arith.cmpi slt, %while3A_119, %sub3A_138 : i32
      %convert_element_type3A_139 = arith.extui %lt3A : i1 to i32
      %cond3A_140 = arith.constant 0 : i32
      %cond3A_141 = arith.cmpi ne, %convert_element_type3A_139, %cond3A_140 : i32
      scf.if %cond3A_141 {
        %mul3A_153 = arith.constant 2 : i32
        %mul3A_154 = arith.muli %mul3A_153, %while3A_119 : i32
        %add3A_155 = arith.constant 2 : i32
        %add3A_156 = arith.addi %mul3A_154, %add3A_155 : i32
        %dma_start3A_157 = arith.constant 0 : i32
        %dma_start3A_158 = tpu.memref_slice %arg5[%add3A_156, %dma_start3A_157] : memref<40x128xi32, #tpu.memory_space<vmem>> -> memref<1x128xi32, #tpu.memory_space<vmem>>
        %dma_start3A_159 = tpu.memref_squeeze %dma_start3A_158 : memref<1x128xi32, #tpu.memory_space<vmem>> -> memref<128xi32, #tpu.memory_space<vmem>>
        %dma_start3A_160 = arith.constant 0 : i32
        %dma_start3A_161 = arith.constant 0 : i32
        %dma_start3A_162 = tpu.memref_slice %arg3[%dma_start3A_160, %dma_start3A_161] : memref<10000x128xf32, #tpu.memory_space<hbm>> -> memref<10000x128xf32, #tpu.memory_space<hbm>>
        tpu.enqueue_indirect_dma source(%dma_start3A_162 : memref<10000x128xf32, #tpu.memory_space<hbm>>) target(%arg8 : memref<128x128xf32, #tpu.memory_space<vmem>>) offsets(%dma_start3A_159 : memref<128xi32, #tpu.memory_space<vmem>>) semaphore(%arg11 : memref<!tpu.dma_semaphore, #tpu.memory_space<semaphore_mem>>)
      } else {
      }
      %dma_wait3A_142 = arith.constant 0 : i32
      %dma_wait3A_143 = arith.constant 0 : i32
      %dma_wait3A_144 = tpu.memref_slice %arg5[%dma_wait3A_142, %dma_wait3A_143] : memref<40x128xi32, #tpu.memory_space<vmem>> -> memref<1x128xi32, #tpu.memory_space<vmem>>
      %dma_wait3A_145 = tpu.memref_squeeze %dma_wait3A_144 : memref<1x128xi32, #tpu.memory_space<vmem>> -> memref<128xi32, #tpu.memory_space<vmem>>
      %dma_wait3A_146 = arith.constant 0 : i32
      %dma_wait3A_147 = arith.constant 0 : i32
      %dma_wait3A_148 = tpu.memref_slice %arg3[%dma_wait3A_146, %dma_wait3A_147] : memref<10000x128xf32, #tpu.memory_space<hbm>> -> memref<10000x128xf32, #tpu.memory_space<hbm>>
      tpu.wait_indirect_dma semaphore(%arg10 : memref<!tpu.dma_semaphore, #tpu.memory_space<semaphore_mem>>) src(%dma_wait3A_148 : memref<10000x128xf32, #tpu.memory_space<hbm>>) dst(%arg7 : memref<128x128xf32, #tpu.memory_space<vmem>>)
      %mul3A_149 = arith.constant 2 : i32
      %mul3A_150 = arith.muli %mul3A_149, %while3A_119 : i32
      %add3A_151 = arith.constant 1 : i32
      %add3A_152 = arith.addi %mul3A_150, %add3A_151 : i32
      "tpu.region"() ({
        %run_scoped3A_153 = tpu.sem_alloc : memref<!tpu.dma_semaphore, #tpu.memory_space<semaphore_mem>>
        %dma_start3A_154 = arith.constant 0 : i32
        %dma_start3A_155 = tpu.memref_slice %arg6[%add3A_152, %dma_start3A_154] : memref<40x128xi32, #tpu.memory_space<vmem>> -> memref<1x128xi32, #tpu.memory_space<vmem>>
        %dma_start3A_156 = tpu.memref_squeeze %dma_start3A_155 : memref<1x128xi32, #tpu.memory_space<vmem>> -> memref<128xi32, #tpu.memory_space<vmem>>
        %dma_start3A_157 = arith.constant 0 : i32
        %dma_start3A_158 = arith.constant 0 : i32
        %dma_start3A_159 = tpu.memref_slice %arg9[%dma_start3A_157, %dma_start3A_158] : memref<10000x128xf32, #tpu.memory_space<vmem_shared>> -> memref<10000x128xf32, #tpu.memory_space<vmem_shared>>
        tpu.enqueue_indirect_dma source(%arg7 : memref<128x128xf32, #tpu.memory_space<vmem>>) target(%dma_start3A_159 : memref<10000x128xf32, #tpu.memory_space<vmem_shared>>) offsets(%dma_start3A_156 : memref<128xi32, #tpu.memory_space<vmem>>) semaphore(%run_scoped3A_153 : memref<!tpu.dma_semaphore, #tpu.memory_space<semaphore_mem>>) {add = true}
        %dma_wait3A_160 = arith.constant 0 : i32
        %dma_wait3A_161 = tpu.memref_slice %arg6[%add3A_152, %dma_wait3A_160] : memref<40x128xi32, #tpu.memory_space<vmem>> -> memref<1x128xi32, #tpu.memory_space<vmem>>
        %dma_wait3A_162 = tpu.memref_squeeze %dma_wait3A_161 : memref<1x128xi32, #tpu.memory_space<vmem>> -> memref<128xi32, #tpu.memory_space<vmem>>
        %dma_wait3A_163 = arith.constant 0 : i32
        %dma_wait3A_164 = arith.constant 0 : i32
        %dma_wait3A_165 = tpu.memref_slice %arg9[%dma_wait3A_163, %dma_wait3A_164] : memref<10000x128xf32, #tpu.memory_space<vmem_shared>> -> memref<10000x128xf32, #tpu.memory_space<vmem_shared>>
        tpu.wait_indirect_dma semaphore(%run_scoped3A_153 : memref<!tpu.dma_semaphore, #tpu.memory_space<semaphore_mem>>) src(%arg7 : memref<128x128xf32, #tpu.memory_space<vmem>>) dst(%dma_wait3A_165 : memref<10000x128xf32, #tpu.memory_space<vmem_shared>>)
        tpu.yield
      }) : () -> ()
    }
    %while3A_70 = arith.constant 1 : i32
    scf.for %while3A_119 = %while3A_68 to %while3A_64 step %while3A_70  : i32 {
      %mul3A_120 = arith.constant 2 : i32
      %mul3A_121 = arith.muli %mul3A_120, %while3A_119 : i32
      %add3A_122 = arith.constant 1 : i32
      %add3A_123 = arith.addi %mul3A_121, %add3A_122 : i32
      %dma_start3A = arith.constant 0 : i32
      %dma_start3A_124 = tpu.memref_slice %arg5[%add3A_123, %dma_start3A] : memref<40x128xi32, #tpu.memory_space<vmem>> -> memref<1x128xi32, #tpu.memory_space<vmem>>
      %dma_start3A_125 = tpu.memref_squeeze %dma_start3A_124 : memref<1x128xi32, #tpu.memory_space<vmem>> -> memref<128xi32, #tpu.memory_space<vmem>>
      %dma_start3A_126 = arith.constant 0 : i32
      %dma_start3A_127 = arith.constant 0 : i32
      %dma_start3A_128 = tpu.memref_slice %arg3[%dma_start3A_126, %dma_start3A_127] : memref<10000x128xf32, #tpu.memory_space<hbm>> -> memref<10000x128xf32, #tpu.memory_space<hbm>>
      tpu.enqueue_indirect_dma source(%dma_start3A_128 : memref<10000x128xf32, #tpu.memory_space<hbm>>) target(%arg7 : memref<128x128xf32, #tpu.memory_space<vmem>>) offsets(%dma_start3A_125 : memref<128xi32, #tpu.memory_space<vmem>>) semaphore(%arg10 : memref<!tpu.dma_semaphore, #tpu.memory_space<semaphore_mem>>)
      %dma_wait3A = arith.constant 0 : i32
      %dma_wait3A_129 = arith.constant 0 : i32
      %dma_wait3A_130 = tpu.memref_slice %arg5[%dma_wait3A, %dma_wait3A_129] : memref<40x128xi32, #tpu.memory_space<vmem>> -> memref<1x128xi32, #tpu.memory_space<vmem>>
      %dma_wait3A_131 = tpu.memref_squeeze %dma_wait3A_130 : memref<1x128xi32, #tpu.memory_space<vmem>> -> memref<128xi32, #tpu.memory_space<vmem>>
      %dma_wait3A_132 = arith.constant 0 : i32
      %dma_wait3A_133 = arith.constant 0 : i32
      %dma_wait3A_134 = tpu.memref_slice %arg3[%dma_wait3A_132, %dma_wait3A_133] : memref<10000x128xf32, #tpu.memory_space<hbm>> -> memref<10000x128xf32, #tpu.memory_space<hbm>>
      tpu.wait_indirect_dma semaphore(%arg11 : memref<!tpu.dma_semaphore, #tpu.memory_space<semaphore_mem>>) src(%dma_wait3A_134 : memref<10000x128xf32, #tpu.memory_space<hbm>>) dst(%arg8 : memref<128x128xf32, #tpu.memory_space<vmem>>)
      %mul3A_135 = arith.constant 2 : i32
      %mul3A_136 = arith.muli %mul3A_135, %while3A_119 : i32
      "tpu.region"() ({
        %run_scoped3A_153 = tpu.sem_alloc : memref<!tpu.dma_semaphore, #tpu.memory_space<semaphore_mem>>
        %dma_start3A_154 = arith.constant 0 : i32
        %dma_start3A_155 = tpu.memref_slice %arg6[%mul3A_136, %dma_start3A_154] : memref<40x128xi32, #tpu.memory_space<vmem>> -> memref<1x128xi32, #tpu.memory_space<vmem>>
        %dma_start3A_156 = tpu.memref_squeeze %dma_start3A_155 : memref<1x128xi32, #tpu.memory_space<vmem>> -> memref<128xi32, #tpu.memory_space<vmem>>
        %dma_start3A_157 = arith.constant 0 : i32
        %dma_start3A_158 = arith.constant 0 : i32
        %dma_start3A_159 = tpu.memref_slice %arg9[%dma_start3A_157, %dma_start3A_158] : memref<10000x128xf32, #tpu.memory_space<vmem_shared>> -> memref<10000x128xf32, #tpu.memory_space<vmem_shared>>
        tpu.enqueue_indirect_dma source(%arg8 : memref<128x128xf32, #tpu.memory_space<vmem>>) target(%dma_start3A_159 : memref<10000x128xf32, #tpu.memory_space<vmem_shared>>) offsets(%dma_start3A_156 : memref<128xi32, #tpu.memory_space<vmem>>) semaphore(%run_scoped3A_153 : memref<!tpu.dma_semaphore, #tpu.memory_space<semaphore_mem>>) {add = true}
        %dma_wait3A_160 = arith.constant 0 : i32
        %dma_wait3A_161 = tpu.memref_slice %arg6[%mul3A_136, %dma_wait3A_160] : memref<40x128xi32, #tpu.memory_space<vmem>> -> memref<1x128xi32, #tpu.memory_space<vmem>>
        %dma_wait3A_162 = tpu.memref_squeeze %dma_wait3A_161 : memref<1x128xi32, #tpu.memory_space<vmem>> -> memref<128xi32, #tpu.memory_space<vmem>>
        %dma_wait3A_163 = arith.constant 0 : i32
        %dma_wait3A_164 = arith.constant 0 : i32
        %dma_wait3A_165 = tpu.memref_slice %arg9[%dma_wait3A_163, %dma_wait3A_164] : memref<10000x128xf32, #tpu.memory_space<vmem_shared>> -> memref<10000x128xf32, #tpu.memory_space<vmem_shared>>
        tpu.wait_indirect_dma semaphore(%run_scoped3A_153 : memref<!tpu.dma_semaphore, #tpu.memory_space<semaphore_mem>>) src(%arg8 : memref<128x128xf32, #tpu.memory_space<vmem>>) dst(%dma_wait3A_165 : memref<10000x128xf32, #tpu.memory_space<vmem_shared>>)
        tpu.yield
      }) : () -> ()
      %sub3A_137 = arith.constant 1 : i32
      %sub3A_138 = arith.subi %select_n3A, %sub3A_137 : i32
      %lt3A = arith.cmpi slt, %while3A_119, %sub3A_138 : i32
      %convert_element_type3A_139 = arith.extui %lt3A : i1 to i32
      %cond3A_140 = arith.constant 0 : i32
      %cond3A_141 = arith.cmpi ne, %convert_element_type3A_139, %cond3A_140 : i32
      scf.if %cond3A_141 {
        %mul3A_153 = arith.constant 2 : i32
        %mul3A_154 = arith.muli %mul3A_153, %while3A_119 : i32
        %add3A_155 = arith.constant 2 : i32
        %add3A_156 = arith.addi %mul3A_154, %add3A_155 : i32
        %dma_start3A_157 = arith.constant 0 : i32
        %dma_start3A_158 = tpu.memref_slice %arg5[%add3A_156, %dma_start3A_157] : memref<40x128xi32, #tpu.memory_space<vmem>> -> memref<1x128xi32, #tpu.memory_space<vmem>>
        %dma_start3A_159 = tpu.memref_squeeze %dma_start3A_158 : memref<1x128xi32, #tpu.memory_space<vmem>> -> memref<128xi32, #tpu.memory_space<vmem>>
        %dma_start3A_160 = arith.constant 0 : i32
        %dma_start3A_161 = arith.constant 0 : i32
        %dma_start3A_162 = tpu.memref_slice %arg3[%dma_start3A_160, %dma_start3A_161] : memref<10000x128xf32, #tpu.memory_space<hbm>> -> memref<10000x128xf32, #tpu.memory_space<hbm>>
        tpu.enqueue_indirect_dma source(%dma_start3A_162 : memref<10000x128xf32, #tpu.memory_space<hbm>>) target(%arg8 : memref<128x128xf32, #tpu.memory_space<vmem>>) offsets(%dma_start3A_159 : memref<128xi32, #tpu.memory_space<vmem>>) semaphore(%arg11 : memref<!tpu.dma_semaphore, #tpu.memory_space<semaphore_mem>>)
      } else {
      }
      %dma_wait3A_142 = arith.constant 0 : i32
      %dma_wait3A_143 = arith.constant 0 : i32
      %dma_wait3A_144 = tpu.memref_slice %arg5[%dma_wait3A_142, %dma_wait3A_143] : memref<40x128xi32, #tpu.memory_space<vmem>> -> memref<1x128xi32, #tpu.memory_space<vmem>>
      %dma_wait3A_145 = tpu.memref_squeeze %dma_wait3A_144 : memref<1x128xi32, #tpu.memory_space<vmem>> -> memref<128xi32, #tpu.memory_space<vmem>>
      %dma_wait3A_146 = arith.constant 0 : i32
      %dma_wait3A_147 = arith.constant 0 : i32
      %dma_wait3A_148 = tpu.memref_slice %arg3[%dma_wait3A_146, %dma_wait3A_147] : memref<10000x128xf32, #tpu.memory_space<hbm>> -> memref<10000x128xf32, #tpu.memory_space<hbm>>
      tpu.wait_indirect_dma semaphore(%arg10 : memref<!tpu.dma_semaphore, #tpu.memory_space<semaphore_mem>>) src(%dma_wait3A_148 : memref<10000x128xf32, #tpu.memory_space<hbm>>) dst(%arg7 : memref<128x128xf32, #tpu.memory_space<vmem>>)
      %mul3A_149 = arith.constant 2 : i32
      %mul3A_150 = arith.muli %mul3A_149, %while3A_119 : i32
      %add3A_151 = arith.constant 1 : i32
      %add3A_152 = arith.addi %mul3A_150, %add3A_151 : i32
      "tpu.region"() ({
        %run_scoped3A_153 = tpu.sem_alloc : memref<!tpu.dma_semaphore, #tpu.memory_space<semaphore_mem>>
        %dma_start3A_154 = arith.constant 0 : i32
        %dma_start3A_155 = tpu.memref_slice %arg6[%add3A_152, %dma_start3A_154] : memref<40x128xi32, #tpu.memory_space<vmem>> -> memref<1x128xi32, #tpu.memory_space<vmem>>
        %dma_start3A_156 = tpu.memref_squeeze %dma_start3A_155 : memref<1x128xi32, #tpu.memory_space<vmem>> -> memref<128xi32, #tpu.memory_space<vmem>>
        %dma_start3A_157 = arith.constant 0 : i32
        %dma_start3A_158 = arith.constant 0 : i32
        %dma_start3A_159 = tpu.memref_slice %arg9[%dma_start3A_157, %dma_start3A_158] : memref<10000x128xf32, #tpu.memory_space<vmem_shared>> -> memref<10000x128xf32, #tpu.memory_space<vmem_shared>>
        tpu.enqueue_indirect_dma source(%arg7 : memref<128x128xf32, #tpu.memory_space<vmem>>) target(%dma_start3A_159 : memref<10000x128xf32, #tpu.memory_space<vmem_shared>>) offsets(%dma_start3A_156 : memref<128xi32, #tpu.memory_space<vmem>>) semaphore(%run_scoped3A_153 : memref<!tpu.dma_semaphore, #tpu.memory_space<semaphore_mem>>) {add = true}
        %dma_wait3A_160 = arith.constant 0 : i32
        %dma_wait3A_161 = tpu.memref_slice %arg6[%add3A_152, %dma_wait3A_160] : memref<40x128xi32, #tpu.memory_space<vmem>> -> memref<1x128xi32, #tpu.memory_space<vmem>>
        %dma_wait3A_162 = tpu.memref_squeeze %dma_wait3A_161 : memref<1x128xi32, #tpu.memory_space<vmem>> -> memref<128xi32, #tpu.memory_space<vmem>>
        %dma_wait3A_163 = arith.constant 0 : i32
        %dma_wait3A_164 = arith.constant 0 : i32
        %dma_wait3A_165 = tpu.memref_slice %arg9[%dma_wait3A_163, %dma_wait3A_164] : memref<10000x128xf32, #tpu.memory_space<vmem_shared>> -> memref<10000x128xf32, #tpu.memory_space<vmem_shared>>
        tpu.wait_indirect_dma semaphore(%run_scoped3A_153 : memref<!tpu.dma_semaphore, #tpu.memory_space<semaphore_mem>>) src(%arg7 : memref<128x128xf32, #tpu.memory_space<vmem>>) dst(%dma_wait3A_165 : memref<10000x128xf32, #tpu.memory_space<vmem_shared>>)
        tpu.yield
      }) : () -> ()
    }
    %sub3A_71 = arith.constant 40 : i32
    %sub3A_72 = arith.subi %min3A, %sub3A_71 : i32
    %jit3A_73 = arith.constant 0 : i32
    %jit3A_74 = arith.constant 40 : i32
    %max3A_75 = arith.maxsi %jit3A_73, %sub3A_72 : i32
    %min3A_76 = arith.minsi %jit3A_74, %max3A_75 : i32
    %jit3A_77 = arith.constant 2 : i32
    %div3A_78 = arith.divsi %min3A_76, %jit3A_77 : i32
    %sign3A_79 = arith.constant 0 : i32
    %sign3A_80 = arith.cmpi sgt, %min3A_76, %sign3A_79 : i32
    %sign3A_81 = arith.extui %sign3A_80 : i1 to i32
    %sign3A_82 = arith.constant 0 : i32
    %sign3A_83 = arith.cmpi slt, %min3A_76, %sign3A_82 : i32
    %sign3A_84 = arith.extui %sign3A_83 : i1 to i32
    %sign3A_85 = arith.subi %sign3A_81, %sign3A_84 : i32
    %sign3A_86 = arith.constant 0 : i32
    %sign3A_87 = arith.cmpi sgt, %jit3A_77, %sign3A_86 : i32
    %sign3A_88 = arith.extui %sign3A_87 : i1 to i32
    %sign3A_89 = arith.constant 0 : i32
    %sign3A_90 = arith.cmpi slt, %jit3A_77, %sign3A_89 : i32
    %sign3A_91 = arith.extui %sign3A_90 : i1 to i32
    %sign3A_92 = arith.subi %sign3A_88, %sign3A_91 : i32
    %ne3A_93 = arith.cmpi ne, %sign3A_85, %sign3A_92 : i32
    %rem3A_94 = arith.remsi %min3A_76, %jit3A_77 : i32
    %ne3A_95 = arith.constant 0 : i32
    %ne3A_96 = arith.cmpi ne, %rem3A_94, %ne3A_95 : i32
    %and3A_97 = arith.andi %ne3A_93, %ne3A_96 : i1
    %sub3A_98 = arith.constant 1 : i32
    %sub3A_99 = arith.subi %div3A_78, %sub3A_98 : i32
    %select_n3A_100 = arith.select %and3A_97, %sub3A_99, %div3A_78 : i32
    %gt3A_101 = arith.constant 0 : i32
    %gt3A_102 = arith.cmpi sgt, %min3A_76, %gt3A_101 : i32
    %and3A_103 = arith.constant true
    %and3A_104 = arith.andi %and3A_103, %gt3A_102 : i1
    %convert_element_type3A_105 = arith.extui %and3A_104 : i1 to i32
    %cond3A_106 = arith.constant 0 : i32
    %cond3A_107 = arith.cmpi ne, %convert_element_type3A_105, %cond3A_106 : i32
    scf.if %cond3A_107 {
      %run_scoped3A_119 = arith.constant 0 : i32
      "tpu.region"() ({
        %run_scoped3A_127 = tpu.sem_alloc : memref<!tpu.dma_semaphore, #tpu.memory_space<semaphore_mem>>
        %dma_start3A_128 = arith.constant 40 : i32
        %dma_start3A_129 = arith.constant 0 : i32
        %dma_start3A_130 = tpu.memref_slice %arg2[%run_scoped3A_119, %arg0, %arg1, %dma_start3A_128, %dma_start3A_129] : memref<2x2x16x80x128xi32, #tpu.memory_space<hbm>> -> memref<1x1x1x40x128xi32, #tpu.memory_space<hbm>>
        %dma_start3A_131 = tpu.memref_squeeze %dma_start3A_130 : memref<1x1x1x40x128xi32, #tpu.memory_space<hbm>> -> memref<40x128xi32, #tpu.memory_space<hbm>>
        %dma_start3A_132 = arith.constant 40 : i32
        %dma_start3A_133 = arith.constant 0 : i32
        %dma_start3A_134 = tpu.memref_slice %arg2[%run_scoped3A_119, %arg0, %arg1, %dma_start3A_132, %dma_start3A_133] : memref<2x2x16x80x128xi32, #tpu.memory_space<hbm>> -> memref<1x1x1x40x128xi32, #tpu.memory_space<hbm>>
        %dma_start3A_135 = tpu.memref_squeeze %dma_start3A_134 : memref<1x1x1x40x128xi32, #tpu.memory_space<hbm>> -> memref<40x128xi32, #tpu.memory_space<hbm>>
        tpu.enqueue_dma source(%dma_start3A_135 : memref<40x128xi32, #tpu.memory_space<hbm>>) target(%arg5 : memref<40x128xi32, #tpu.memory_space<vmem>>) target_semaphore(%run_scoped3A_127 : memref<!tpu.dma_semaphore, #tpu.memory_space<semaphore_mem>>)
        %dma_wait3A = arith.constant 40 : i32
        %dma_wait3A_136 = arith.constant 0 : i32
        %dma_wait3A_137 = tpu.memref_slice %arg2[%run_scoped3A_119, %arg0, %arg1, %dma_wait3A, %dma_wait3A_136] : memref<2x2x16x80x128xi32, #tpu.memory_space<hbm>> -> memref<1x1x1x40x128xi32, #tpu.memory_space<hbm>>
        %dma_wait3A_138 = tpu.memref_squeeze %dma_wait3A_137 : memref<1x1x1x40x128xi32, #tpu.memory_space<hbm>> -> memref<40x128xi32, #tpu.memory_space<hbm>>
        %dma_wait3A_139 = arith.constant 40 : i32
        %dma_wait3A_140 = arith.constant 0 : i32
        %dma_wait3A_141 = tpu.memref_slice %arg2[%run_scoped3A_119, %arg0, %arg1, %dma_wait3A_139, %dma_wait3A_140] : memref<2x2x16x80x128xi32, #tpu.memory_space<hbm>> -> memref<1x1x1x40x128xi32, #tpu.memory_space<hbm>>
        %dma_wait3A_142 = tpu.memref_squeeze %dma_wait3A_141 : memref<1x1x1x40x128xi32, #tpu.memory_space<hbm>> -> memref<40x128xi32, #tpu.memory_space<hbm>>
        tpu.wait_dma2 semaphore(%run_scoped3A_127 : memref<!tpu.dma_semaphore, #tpu.memory_space<semaphore_mem>>) src(%dma_wait3A_142 : memref<40x128xi32, #tpu.memory_space<hbm>>) dst(%arg5 : memref<40x128xi32, #tpu.memory_space<vmem>>)
        tpu.yield
      }) : () -> ()
      %run_scoped3A_120 = arith.constant 1 : i32
      "tpu.region"() ({
        %run_scoped3A_127 = tpu.sem_alloc : memref<!tpu.dma_semaphore, #tpu.memory_space<semaphore_mem>>
        %dma_start3A_128 = arith.constant 40 : i32
        %dma_start3A_129 = arith.constant 0 : i32
        %dma_start3A_130 = tpu.memref_slice %arg2[%run_scoped3A_120, %arg0, %arg1, %dma_start3A_128, %dma_start3A_129] : memref<2x2x16x80x128xi32, #tpu.memory_space<hbm>> -> memref<1x1x1x40x128xi32, #tpu.memory_space<hbm>>
        %dma_start3A_131 = tpu.memref_squeeze %dma_start3A_130 : memref<1x1x1x40x128xi32, #tpu.memory_space<hbm>> -> memref<40x128xi32, #tpu.memory_space<hbm>>
        %dma_start3A_132 = arith.constant 40 : i32
        %dma_start3A_133 = arith.constant 0 : i32
        %dma_start3A_134 = tpu.memref_slice %arg2[%run_scoped3A_120, %arg0, %arg1, %dma_start3A_132, %dma_start3A_133] : memref<2x2x16x80x128xi32, #tpu.memory_space<hbm>> -> memref<1x1x1x40x128xi32, #tpu.memory_space<hbm>>
        %dma_start3A_135 = tpu.memref_squeeze %dma_start3A_134 : memref<1x1x1x40x128xi32, #tpu.memory_space<hbm>> -> memref<40x128xi32, #tpu.memory_space<hbm>>
        tpu.enqueue_dma source(%dma_start3A_135 : memref<40x128xi32, #tpu.memory_space<hbm>>) target(%arg6 : memref<40x128xi32, #tpu.memory_space<vmem>>) target_semaphore(%run_scoped3A_127 : memref<!tpu.dma_semaphore, #tpu.memory_space<semaphore_mem>>)
        %dma_wait3A = arith.constant 40 : i32
        %dma_wait3A_136 = arith.constant 0 : i32
        %dma_wait3A_137 = tpu.memref_slice %arg2[%run_scoped3A_120, %arg0, %arg1, %dma_wait3A, %dma_wait3A_136] : memref<2x2x16x80x128xi32, #tpu.memory_space<hbm>> -> memref<1x1x1x40x128xi32, #tpu.memory_space<hbm>>
        %dma_wait3A_138 = tpu.memref_squeeze %dma_wait3A_137 : memref<1x1x1x40x128xi32, #tpu.memory_space<hbm>> -> memref<40x128xi32, #tpu.memory_space<hbm>>
        %dma_wait3A_139 = arith.constant 40 : i32
        %dma_wait3A_140 = arith.constant 0 : i32
        %dma_wait3A_141 = tpu.memref_slice %arg2[%run_scoped3A_120, %arg0, %arg1, %dma_wait3A_139, %dma_wait3A_140] : memref<2x2x16x80x128xi32, #tpu.memory_space<hbm>> -> memref<1x1x1x40x128xi32, #tpu.memory_space<hbm>>
        %dma_wait3A_142 = tpu.memref_squeeze %dma_wait3A_141 : memref<1x1x1x40x128xi32, #tpu.memory_space<hbm>> -> memref<40x128xi32, #tpu.memory_space<hbm>>
        tpu.wait_dma2 semaphore(%run_scoped3A_127 : memref<!tpu.dma_semaphore, #tpu.memory_space<semaphore_mem>>) src(%dma_wait3A_142 : memref<40x128xi32, #tpu.memory_space<hbm>>) dst(%arg6 : memref<40x128xi32, #tpu.memory_space<vmem>>)
        tpu.yield
      }) : () -> ()
      %dma_start3A = arith.constant 0 : i32
      %dma_start3A_121 = arith.constant 0 : i32
      %dma_start3A_122 = tpu.memref_slice %arg5[%dma_start3A, %dma_start3A_121] : memref<40x128xi32, #tpu.memory_space<vmem>> -> memref<1x128xi32, #tpu.memory_space<vmem>>
      %dma_start3A_123 = tpu.memref_squeeze %dma_start3A_122 : memref<1x128xi32, #tpu.memory_space<vmem>> -> memref<128xi32, #tpu.memory_space<vmem>>
      %dma_start3A_124 = arith.constant 0 : i32
      %dma_start3A_125 = arith.constant 0 : i32
      %dma_start3A_126 = tpu.memref_slice %arg3[%dma_start3A_124, %dma_start3A_125] : memref<10000x128xf32, #tpu.memory_space<hbm>> -> memref<10000x128xf32, #tpu.memory_space<hbm>>
      tpu.enqueue_indirect_dma source(%dma_start3A_126 : memref<10000x128xf32, #tpu.memory_space<hbm>>) target(%arg8 : memref<128x128xf32, #tpu.memory_space<vmem>>) offsets(%dma_start3A_123 : memref<128xi32, #tpu.memory_space<vmem>>) semaphore(%arg11 : memref<!tpu.dma_semaphore, #tpu.memory_space<semaphore_mem>>)
    } else {
    }
    %while3A_108 = arith.constant 0 : i32
    %while3A_109 = arith.constant 0 : i32
    %while3A_110 = arith.subi %select_n3A_100, %while3A_109 : i32
    %while3A_111 = arith.addi %while3A_109, %while3A_110 : i32
    %while3A_112 = arith.constant 1 : i32
    %while3A_113 = arith.divsi %while3A_110, %while3A_112 : i32
    %while3A_114 = arith.muli %while3A_113, %while3A_112 : i32
    %while3A_115 = arith.addi %while3A_109, %while3A_114 : i32
    %while3A_116 = arith.constant 1 : i32
    scf.for %while3A_119 = %while3A_109 to %while3A_115 step %while3A_116  : i32 {
      %mul3A_120 = arith.constant 2 : i32
      %mul3A_121 = arith.muli %mul3A_120, %while3A_119 : i32
      %add3A_122 = arith.constant 1 : i32
      %add3A_123 = arith.addi %mul3A_121, %add3A_122 : i32
      %dma_start3A = arith.constant 0 : i32
      %dma_start3A_124 = tpu.memref_slice %arg5[%add3A_123, %dma_start3A] : memref<40x128xi32, #tpu.memory_space<vmem>> -> memref<1x128xi32, #tpu.memory_space<vmem>>
      %dma_start3A_125 = tpu.memref_squeeze %dma_start3A_124 : memref<1x128xi32, #tpu.memory_space<vmem>> -> memref<128xi32, #tpu.memory_space<vmem>>
      %dma_start3A_126 = arith.constant 0 : i32
      %dma_start3A_127 = arith.constant 0 : i32
      %dma_start3A_128 = tpu.memref_slice %arg3[%dma_start3A_126, %dma_start3A_127] : memref<10000x128xf32, #tpu.memory_space<hbm>> -> memref<10000x128xf32, #tpu.memory_space<hbm>>
      tpu.enqueue_indirect_dma source(%dma_start3A_128 : memref<10000x128xf32, #tpu.memory_space<hbm>>) target(%arg7 : memref<128x128xf32, #tpu.memory_space<vmem>>) offsets(%dma_start3A_125 : memref<128xi32, #tpu.memory_space<vmem>>) semaphore(%arg10 : memref<!tpu.dma_semaphore, #tpu.memory_space<semaphore_mem>>)
      %dma_wait3A = arith.constant 0 : i32
      %dma_wait3A_129 = arith.constant 0 : i32
      %dma_wait3A_130 = tpu.memref_slice %arg5[%dma_wait3A, %dma_wait3A_129] : memref<40x128xi32, #tpu.memory_space<vmem>> -> memref<1x128xi32, #tpu.memory_space<vmem>>
      %dma_wait3A_131 = tpu.memref_squeeze %dma_wait3A_130 : memref<1x128xi32, #tpu.memory_space<vmem>> -> memref<128xi32, #tpu.memory_space<vmem>>
      %dma_wait3A_132 = arith.constant 0 : i32
      %dma_wait3A_133 = arith.constant 0 : i32
      %dma_wait3A_134 = tpu.memref_slice %arg3[%dma_wait3A_132, %dma_wait3A_133] : memref<10000x128xf32, #tpu.memory_space<hbm>> -> memref<10000x128xf32, #tpu.memory_space<hbm>>
      tpu.wait_indirect_dma semaphore(%arg11 : memref<!tpu.dma_semaphore, #tpu.memory_space<semaphore_mem>>) src(%dma_wait3A_134 : memref<10000x128xf32, #tpu.memory_space<hbm>>) dst(%arg8 : memref<128x128xf32, #tpu.memory_space<vmem>>)
      %mul3A_135 = arith.constant 2 : i32
      %mul3A_136 = arith.muli %mul3A_135, %while3A_119 : i32
      "tpu.region"() ({
        %run_scoped3A_153 = tpu.sem_alloc : memref<!tpu.dma_semaphore, #tpu.memory_space<semaphore_mem>>
        %dma_start3A_154 = arith.constant 0 : i32
        %dma_start3A_155 = tpu.memref_slice %arg6[%mul3A_136, %dma_start3A_154] : memref<40x128xi32, #tpu.memory_space<vmem>> -> memref<1x128xi32, #tpu.memory_space<vmem>>
        %dma_start3A_156 = tpu.memref_squeeze %dma_start3A_155 : memref<1x128xi32, #tpu.memory_space<vmem>> -> memref<128xi32, #tpu.memory_space<vmem>>
        %dma_start3A_157 = arith.constant 0 : i32
        %dma_start3A_158 = arith.constant 0 : i32
        %dma_start3A_159 = tpu.memref_slice %arg9[%dma_start3A_157, %dma_start3A_158] : memref<10000x128xf32, #tpu.memory_space<vmem_shared>> -> memref<10000x128xf32, #tpu.memory_space<vmem_shared>>
        tpu.enqueue_indirect_dma source(%arg8 : memref<128x128xf32, #tpu.memory_space<vmem>>) target(%dma_start3A_159 : memref<10000x128xf32, #tpu.memory_space<vmem_shared>>) offsets(%dma_start3A_156 : memref<128xi32, #tpu.memory_space<vmem>>) semaphore(%run_scoped3A_153 : memref<!tpu.dma_semaphore, #tpu.memory_space<semaphore_mem>>) {add = true}
        %dma_wait3A_160 = arith.constant 0 : i32
        %dma_wait3A_161 = tpu.memref_slice %arg6[%mul3A_136, %dma_wait3A_160] : memref<40x128xi32, #tpu.memory_space<vmem>> -> memref<1x128xi32, #tpu.memory_space<vmem>>
        %dma_wait3A_162 = tpu.memref_squeeze %dma_wait3A_161 : memref<1x128xi32, #tpu.memory_space<vmem>> -> memref<128xi32, #tpu.memory_space<vmem>>
        %dma_wait3A_163 = arith.constant 0 : i32
        %dma_wait3A_164 = arith.constant 0 : i32
        %dma_wait3A_165 = tpu.memref_slice %arg9[%dma_wait3A_163, %dma_wait3A_164] : memref<10000x128xf32, #tpu.memory_space<vmem_shared>> -> memref<10000x128xf32, #tpu.memory_space<vmem_shared>>
        tpu.wait_indirect_dma semaphore(%run_scoped3A_153 : memref<!tpu.dma_semaphore, #tpu.memory_space<semaphore_mem>>) src(%arg8 : memref<128x128xf32, #tpu.memory_space<vmem>>) dst(%dma_wait3A_165 : memref<10000x128xf32, #tpu.memory_space<vmem_shared>>)
        tpu.yield
      }) : () -> ()
      %sub3A_137 = arith.constant 1 : i32
      %sub3A_138 = arith.subi %select_n3A_100, %sub3A_137 : i32
      %lt3A = arith.cmpi slt, %while3A_119, %sub3A_138 : i32
      %convert_element_type3A_139 = arith.extui %lt3A : i1 to i32
      %cond3A_140 = arith.constant 0 : i32
      %cond3A_141 = arith.cmpi ne, %convert_element_type3A_139, %cond3A_140 : i32
      scf.if %cond3A_141 {
        %mul3A_153 = arith.constant 2 : i32
        %mul3A_154 = arith.muli %mul3A_153, %while3A_119 : i32
        %add3A_155 = arith.constant 2 : i32
        %add3A_156 = arith.addi %mul3A_154, %add3A_155 : i32
        %dma_start3A_157 = arith.constant 0 : i32
        %dma_start3A_158 = tpu.memref_slice %arg5[%add3A_156, %dma_start3A_157] : memref<40x128xi32, #tpu.memory_space<vmem>> -> memref<1x128xi32, #tpu.memory_space<vmem>>
        %dma_start3A_159 = tpu.memref_squeeze %dma_start3A_158 : memref<1x128xi32, #tpu.memory_space<vmem>> -> memref<128xi32, #tpu.memory_space<vmem>>
        %dma_start3A_160 = arith.constant 0 : i32
        %dma_start3A_161 = arith.constant 0 : i32
        %dma_start3A_162 = tpu.memref_slice %arg3[%dma_start3A_160, %dma_start3A_161] : memref<10000x128xf32, #tpu.memory_space<hbm>> -> memref<10000x128xf32, #tpu.memory_space<hbm>>
        tpu.enqueue_indirect_dma source(%dma_start3A_162 : memref<10000x128xf32, #tpu.memory_space<hbm>>) target(%arg8 : memref<128x128xf32, #tpu.memory_space<vmem>>) offsets(%dma_start3A_159 : memref<128xi32, #tpu.memory_space<vmem>>) semaphore(%arg11 : memref<!tpu.dma_semaphore, #tpu.memory_space<semaphore_mem>>)
      } else {
      }
      %dma_wait3A_142 = arith.constant 0 : i32
      %dma_wait3A_143 = arith.constant 0 : i32
      %dma_wait3A_144 = tpu.memref_slice %arg5[%dma_wait3A_142, %dma_wait3A_143] : memref<40x128xi32, #tpu.memory_space<vmem>> -> memref<1x128xi32, #tpu.memory_space<vmem>>
      %dma_wait3A_145 = tpu.memref_squeeze %dma_wait3A_144 : memref<1x128xi32, #tpu.memory_space<vmem>> -> memref<128xi32, #tpu.memory_space<vmem>>
      %dma_wait3A_146 = arith.constant 0 : i32
      %dma_wait3A_147 = arith.constant 0 : i32
      %dma_wait3A_148 = tpu.memref_slice %arg3[%dma_wait3A_146, %dma_wait3A_147] : memref<10000x128xf32, #tpu.memory_space<hbm>> -> memref<10000x128xf32, #tpu.memory_space<hbm>>
      tpu.wait_indirect_dma semaphore(%arg10 : memref<!tpu.dma_semaphore, #tpu.memory_space<semaphore_mem>>) src(%dma_wait3A_148 : memref<10000x128xf32, #tpu.memory_space<hbm>>) dst(%arg7 : memref<128x128xf32, #tpu.memory_space<vmem>>)
      %mul3A_149 = arith.constant 2 : i32
      %mul3A_150 = arith.muli %mul3A_149, %while3A_119 : i32
      %add3A_151 = arith.constant 1 : i32
      %add3A_152 = arith.addi %mul3A_150, %add3A_151 : i32
      "tpu.region"() ({
        %run_scoped3A_153 = tpu.sem_alloc : memref<!tpu.dma_semaphore, #tpu.memory_space<semaphore_mem>>
        %dma_start3A_154 = arith.constant 0 : i32
        %dma_start3A_155 = tpu.memref_slice %arg6[%add3A_152, %dma_start3A_154] : memref<40x128xi32, #tpu.memory_space<vmem>> -> memref<1x128xi32, #tpu.memory_space<vmem>>
        %dma_start3A_156 = tpu.memref_squeeze %dma_start3A_155 : memref<1x128xi32, #tpu.memory_space<vmem>> -> memref<128xi32, #tpu.memory_space<vmem>>
        %dma_start3A_157 = arith.constant 0 : i32
        %dma_start3A_158 = arith.constant 0 : i32
        %dma_start3A_159 = tpu.memref_slice %arg9[%dma_start3A_157, %dma_start3A_158] : memref<10000x128xf32, #tpu.memory_space<vmem_shared>> -> memref<10000x128xf32, #tpu.memory_space<vmem_shared>>
        tpu.enqueue_indirect_dma source(%arg7 : memref<128x128xf32, #tpu.memory_space<vmem>>) target(%dma_start3A_159 : memref<10000x128xf32, #tpu.memory_space<vmem_shared>>) offsets(%dma_start3A_156 : memref<128xi32, #tpu.memory_space<vmem>>) semaphore(%run_scoped3A_153 : memref<!tpu.dma_semaphore, #tpu.memory_space<semaphore_mem>>) {add = true}
        %dma_wait3A_160 = arith.constant 0 : i32
        %dma_wait3A_161 = tpu.memref_slice %arg6[%add3A_152, %dma_wait3A_160] : memref<40x128xi32, #tpu.memory_space<vmem>> -> memref<1x128xi32, #tpu.memory_space<vmem>>
        %dma_wait3A_162 = tpu.memref_squeeze %dma_wait3A_161 : memref<1x128xi32, #tpu.memory_space<vmem>> -> memref<128xi32, #tpu.memory_space<vmem>>
        %dma_wait3A_163 = arith.constant 0 : i32
        %dma_wait3A_164 = arith.constant 0 : i32
        %dma_wait3A_165 = tpu.memref_slice %arg9[%dma_wait3A_163, %dma_wait3A_164] : memref<10000x128xf32, #tpu.memory_space<vmem_shared>> -> memref<10000x128xf32, #tpu.memory_space<vmem_shared>>
        tpu.wait_indirect_dma semaphore(%run_scoped3A_153 : memref<!tpu.dma_semaphore, #tpu.memory_space<semaphore_mem>>) src(%arg7 : memref<128x128xf32, #tpu.memory_space<vmem>>) dst(%dma_wait3A_165 : memref<10000x128xf32, #tpu.memory_space<vmem_shared>>)
        tpu.yield
      }) : () -> ()
    }
    %while3A_117 = arith.constant 1 : i32
    scf.for %while3A_119 = %while3A_115 to %while3A_111 step %while3A_117  : i32 {
      %mul3A_120 = arith.constant 2 : i32
      %mul3A_121 = arith.muli %mul3A_120, %while3A_119 : i32
      %add3A_122 = arith.constant 1 : i32
      %add3A_123 = arith.addi %mul3A_121, %add3A_122 : i32
      %dma_start3A = arith.constant 0 : i32
      %dma_start3A_124 = tpu.memref_slice %arg5[%add3A_123, %dma_start3A] : memref<40x128xi32, #tpu.memory_space<vmem>> -> memref<1x128xi32, #tpu.memory_space<vmem>>
      %dma_start3A_125 = tpu.memref_squeeze %dma_start3A_124 : memref<1x128xi32, #tpu.memory_space<vmem>> -> memref<128xi32, #tpu.memory_space<vmem>>
      %dma_start3A_126 = arith.constant 0 : i32
      %dma_start3A_127 = arith.constant 0 : i32
      %dma_start3A_128 = tpu.memref_slice %arg3[%dma_start3A_126, %dma_start3A_127] : memref<10000x128xf32, #tpu.memory_space<hbm>> -> memref<10000x128xf32, #tpu.memory_space<hbm>>
      tpu.enqueue_indirect_dma source(%dma_start3A_128 : memref<10000x128xf32, #tpu.memory_space<hbm>>) target(%arg7 : memref<128x128xf32, #tpu.memory_space<vmem>>) offsets(%dma_start3A_125 : memref<128xi32, #tpu.memory_space<vmem>>) semaphore(%arg10 : memref<!tpu.dma_semaphore, #tpu.memory_space<semaphore_mem>>)
      %dma_wait3A = arith.constant 0 : i32
      %dma_wait3A_129 = arith.constant 0 : i32
      %dma_wait3A_130 = tpu.memref_slice %arg5[%dma_wait3A, %dma_wait3A_129] : memref<40x128xi32, #tpu.memory_space<vmem>> -> memref<1x128xi32, #tpu.memory_space<vmem>>
      %dma_wait3A_131 = tpu.memref_squeeze %dma_wait3A_130 : memref<1x128xi32, #tpu.memory_space<vmem>> -> memref<128xi32, #tpu.memory_space<vmem>>
      %dma_wait3A_132 = arith.constant 0 : i32
      %dma_wait3A_133 = arith.constant 0 : i32
      %dma_wait3A_134 = tpu.memref_slice %arg3[%dma_wait3A_132, %dma_wait3A_133] : memref<10000x128xf32, #tpu.memory_space<hbm>> -> memref<10000x128xf32, #tpu.memory_space<hbm>>
      tpu.wait_indirect_dma semaphore(%arg11 : memref<!tpu.dma_semaphore, #tpu.memory_space<semaphore_mem>>) src(%dma_wait3A_134 : memref<10000x128xf32, #tpu.memory_space<hbm>>) dst(%arg8 : memref<128x128xf32, #tpu.memory_space<vmem>>)
      %mul3A_135 = arith.constant 2 : i32
      %mul3A_136 = arith.muli %mul3A_135, %while3A_119 : i32
      "tpu.region"() ({
        %run_scoped3A_153 = tpu.sem_alloc : memref<!tpu.dma_semaphore, #tpu.memory_space<semaphore_mem>>
        %dma_start3A_154 = arith.constant 0 : i32
        %dma_start3A_155 = tpu.memref_slice %arg6[%mul3A_136, %dma_start3A_154] : memref<40x128xi32, #tpu.memory_space<vmem>> -> memref<1x128xi32, #tpu.memory_space<vmem>>
        %dma_start3A_156 = tpu.memref_squeeze %dma_start3A_155 : memref<1x128xi32, #tpu.memory_space<vmem>> -> memref<128xi32, #tpu.memory_space<vmem>>
        %dma_start3A_157 = arith.constant 0 : i32
        %dma_start3A_158 = arith.constant 0 : i32
        %dma_start3A_159 = tpu.memref_slice %arg9[%dma_start3A_157, %dma_start3A_158] : memref<10000x128xf32, #tpu.memory_space<vmem_shared>> -> memref<10000x128xf32, #tpu.memory_space<vmem_shared>>
        tpu.enqueue_indirect_dma source(%arg8 : memref<128x128xf32, #tpu.memory_space<vmem>>) target(%dma_start3A_159 : memref<10000x128xf32, #tpu.memory_space<vmem_shared>>) offsets(%dma_start3A_156 : memref<128xi32, #tpu.memory_space<vmem>>) semaphore(%run_scoped3A_153 : memref<!tpu.dma_semaphore, #tpu.memory_space<semaphore_mem>>) {add = true}
        %dma_wait3A_160 = arith.constant 0 : i32
        %dma_wait3A_161 = tpu.memref_slice %arg6[%mul3A_136, %dma_wait3A_160] : memref<40x128xi32, #tpu.memory_space<vmem>> -> memref<1x128xi32, #tpu.memory_space<vmem>>
        %dma_wait3A_162 = tpu.memref_squeeze %dma_wait3A_161 : memref<1x128xi32, #tpu.memory_space<vmem>> -> memref<128xi32, #tpu.memory_space<vmem>>
        %dma_wait3A_163 = arith.constant 0 : i32
        %dma_wait3A_164 = arith.constant 0 : i32
        %dma_wait3A_165 = tpu.memref_slice %arg9[%dma_wait3A_163, %dma_wait3A_164] : memref<10000x128xf32, #tpu.memory_space<vmem_shared>> -> memref<10000x128xf32, #tpu.memory_space<vmem_shared>>
        tpu.wait_indirect_dma semaphore(%run_scoped3A_153 : memref<!tpu.dma_semaphore, #tpu.memory_space<semaphore_mem>>) src(%arg8 : memref<128x128xf32, #tpu.memory_space<vmem>>) dst(%dma_wait3A_165 : memref<10000x128xf32, #tpu.memory_space<vmem_shared>>)
        tpu.yield
      }) : () -> ()
      %sub3A_137 = arith.constant 1 : i32
      %sub3A_138 = arith.subi %select_n3A_100, %sub3A_137 : i32
      %lt3A = arith.cmpi slt, %while3A_119, %sub3A_138 : i32
      %convert_element_type3A_139 = arith.extui %lt3A : i1 to i32
      %cond3A_140 = arith.constant 0 : i32
      %cond3A_141 = arith.cmpi ne, %convert_element_type3A_139, %cond3A_140 : i32
      scf.if %cond3A_141 {
        %mul3A_153 = arith.constant 2 : i32
        %mul3A_154 = arith.muli %mul3A_153, %while3A_119 : i32
        %add3A_155 = arith.constant 2 : i32
        %add3A_156 = arith.addi %mul3A_154, %add3A_155 : i32
        %dma_start3A_157 = arith.constant 0 : i32
        %dma_start3A_158 = tpu.memref_slice %arg5[%add3A_156, %dma_start3A_157] : memref<40x128xi32, #tpu.memory_space<vmem>> -> memref<1x128xi32, #tpu.memory_space<vmem>>
        %dma_start3A_159 = tpu.memref_squeeze %dma_start3A_158 : memref<1x128xi32, #tpu.memory_space<vmem>> -> memref<128xi32, #tpu.memory_space<vmem>>
        %dma_start3A_160 = arith.constant 0 : i32
        %dma_start3A_161 = arith.constant 0 : i32
        %dma_start3A_162 = tpu.memref_slice %arg3[%dma_start3A_160, %dma_start3A_161] : memref<10000x128xf32, #tpu.memory_space<hbm>> -> memref<10000x128xf32, #tpu.memory_space<hbm>>
        tpu.enqueue_indirect_dma source(%dma_start3A_162 : memref<10000x128xf32, #tpu.memory_space<hbm>>) target(%arg8 : memref<128x128xf32, #tpu.memory_space<vmem>>) offsets(%dma_start3A_159 : memref<128xi32, #tpu.memory_space<vmem>>) semaphore(%arg11 : memref<!tpu.dma_semaphore, #tpu.memory_space<semaphore_mem>>)
      } else {
      }
      %dma_wait3A_142 = arith.constant 0 : i32
      %dma_wait3A_143 = arith.constant 0 : i32
      %dma_wait3A_144 = tpu.memref_slice %arg5[%dma_wait3A_142, %dma_wait3A_143] : memref<40x128xi32, #tpu.memory_space<vmem>> -> memref<1x128xi32, #tpu.memory_space<vmem>>
      %dma_wait3A_145 = tpu.memref_squeeze %dma_wait3A_144 : memref<1x128xi32, #tpu.memory_space<vmem>> -> memref<128xi32, #tpu.memory_space<vmem>>
      %dma_wait3A_146 = arith.constant 0 : i32
      %dma_wait3A_147 = arith.constant 0 : i32
      %dma_wait3A_148 = tpu.memref_slice %arg3[%dma_wait3A_146, %dma_wait3A_147] : memref<10000x128xf32, #tpu.memory_space<hbm>> -> memref<10000x128xf32, #tpu.memory_space<hbm>>
      tpu.wait_indirect_dma semaphore(%arg10 : memref<!tpu.dma_semaphore, #tpu.memory_space<semaphore_mem>>) src(%dma_wait3A_148 : memref<10000x128xf32, #tpu.memory_space<hbm>>) dst(%arg7 : memref<128x128xf32, #tpu.memory_space<vmem>>)
      %mul3A_149 = arith.constant 2 : i32
      %mul3A_150 = arith.muli %mul3A_149, %while3A_119 : i32
      %add3A_151 = arith.constant 1 : i32
      %add3A_152 = arith.addi %mul3A_150, %add3A_151 : i32
      "tpu.region"() ({
        %run_scoped3A_153 = tpu.sem_alloc : memref<!tpu.dma_semaphore, #tpu.memory_space<semaphore_mem>>
        %dma_start3A_154 = arith.constant 0 : i32
        %dma_start3A_155 = tpu.memref_slice %arg6[%add3A_152, %dma_start3A_154] : memref<40x128xi32, #tpu.memory_space<vmem>> -> memref<1x128xi32, #tpu.memory_space<vmem>>
        %dma_start3A_156 = tpu.memref_squeeze %dma_start3A_155 : memref<1x128xi32, #tpu.memory_space<vmem>> -> memref<128xi32, #tpu.memory_space<vmem>>
        %dma_start3A_157 = arith.constant 0 : i32
        %dma_start3A_158 = arith.constant 0 : i32
        %dma_start3A_159 = tpu.memref_slice %arg9[%dma_start3A_157, %dma_start3A_158] : memref<10000x128xf32, #tpu.memory_space<vmem_shared>> -> memref<10000x128xf32, #tpu.memory_space<vmem_shared>>
        tpu.enqueue_indirect_dma source(%arg7 : memref<128x128xf32, #tpu.memory_space<vmem>>) target(%dma_start3A_159 : memref<10000x128xf32, #tpu.memory_space<vmem_shared>>) offsets(%dma_start3A_156 : memref<128xi32, #tpu.memory_space<vmem>>) semaphore(%run_scoped3A_153 : memref<!tpu.dma_semaphore, #tpu.memory_space<semaphore_mem>>) {add = true}
        %dma_wait3A_160 = arith.constant 0 : i32
        %dma_wait3A_161 = tpu.memref_slice %arg6[%add3A_152, %dma_wait3A_160] : memref<40x128xi32, #tpu.memory_space<vmem>> -> memref<1x128xi32, #tpu.memory_space<vmem>>
        %dma_wait3A_162 = tpu.memref_squeeze %dma_wait3A_161 : memref<1x128xi32, #tpu.memory_space<vmem>> -> memref<128xi32, #tpu.memory_space<vmem>>
        %dma_wait3A_163 = arith.constant 0 : i32
        %dma_wait3A_164 = arith.constant 0 : i32
        %dma_wait3A_165 = tpu.memref_slice %arg9[%dma_wait3A_163, %dma_wait3A_164] : memref<10000x128xf32, #tpu.memory_space<vmem_shared>> -> memref<10000x128xf32, #tpu.memory_space<vmem_shared>>
        tpu.wait_indirect_dma semaphore(%run_scoped3A_153 : memref<!tpu.dma_semaphore, #tpu.memory_space<semaphore_mem>>) src(%arg7 : memref<128x128xf32, #tpu.memory_space<vmem>>) dst(%dma_wait3A_165 : memref<10000x128xf32, #tpu.memory_space<vmem_shared>>)
        tpu.yield
      }) : () -> ()
    }
    %barrier3A_118 = arith.constant 0 : index
    tpu.barrier barrier_id(%barrier3A_118)
    "tpu.region"() ({
      %run_scoped3A_119 = tpu.sem_alloc : memref<!tpu.dma_semaphore, #tpu.memory_space<semaphore_mem>>
      %dma_start3A = arith.constant 0 : i32
      %dma_start3A_120 = tpu.memref_slice %arg4[%arg0, %mul3A_14, %dma_start3A] : memref<2x10000x128xf32, #tpu.memory_space<hbm>> -> memref<1x640x128xf32, #tpu.memory_space<hbm>>
      %dma_start3A_121 = tpu.memref_squeeze %dma_start3A_120 : memref<1x640x128xf32, #tpu.memory_space<hbm>> -> memref<640x128xf32, #tpu.memory_space<hbm>>
      %dma_start3A_122 = arith.constant 0 : i32
      %dma_start3A_123 = tpu.memref_slice %arg9[%mul3A_14, %dma_start3A_122] : memref<10000x128xf32, #tpu.memory_space<vmem_shared>> -> memref<640x128xf32, #tpu.memory_space<vmem_shared>>
      tpu.enqueue_dma source(%dma_start3A_123 : memref<640x128xf32, #tpu.memory_space<vmem_shared>>) target(%dma_start3A_121 : memref<640x128xf32, #tpu.memory_space<hbm>>) target_semaphore(%run_scoped3A_119 : memref<!tpu.dma_semaphore, #tpu.memory_space<semaphore_mem>>)
      %dma_wait3A = arith.constant 0 : i32
      %dma_wait3A_124 = tpu.memref_slice %arg4[%arg0, %mul3A_14, %dma_wait3A] : memref<2x10000x128xf32, #tpu.memory_space<hbm>> -> memref<1x640x128xf32, #tpu.memory_space<hbm>>
      %dma_wait3A_125 = tpu.memref_squeeze %dma_wait3A_124 : memref<1x640x128xf32, #tpu.memory_space<hbm>> -> memref<640x128xf32, #tpu.memory_space<hbm>>
      %dma_wait3A_126 = arith.constant 0 : i32
      %dma_wait3A_127 = tpu.memref_slice %arg9[%mul3A_14, %dma_wait3A_126] : memref<10000x128xf32, #tpu.memory_space<vmem_shared>> -> memref<640x128xf32, #tpu.memory_space<vmem_shared>>
      tpu.wait_dma2 semaphore(%run_scoped3A_119 : memref<!tpu.dma_semaphore, #tpu.memory_space<semaphore_mem>>) src(%dma_wait3A_127 : memref<640x128xf32, #tpu.memory_space<vmem_shared>>) dst(%dma_wait3A_125 : memref<640x128xf32, #tpu.memory_space<hbm>>)
      tpu.yield
    }) : () -> ()
    return
  }
}

module attributes {stable_mosaic.version = 14 : i64} {
  func.func @_lin_body(%arg0: i32, %arg1: memref<1024x128xf32, #tpu.memory_space<vmem>>, %arg2: memref<128x128xf32, #tpu.memory_space<vmem>>, %arg3: memref<2x1024xf32, #tpu.memory_space<vmem>>, %arg4: memref<1024x128xf32, #tpu.memory_space<vmem>>) attributes {dimension_semantics = [#tpu.dimension_semantics<arbitrary>], iteration_bounds = array<i64: 10>, scalar_prefetch = 0 : i64, scratch_operands = 0 : i64, tpu.core_type = #tpu.core_type<tc>, window_params = [{transform_indices = @transform_0, window_bounds = array<i64: 1024, 128>}, {pipeline_mode = #tpu.pipeline_mode<synchronous>, transform_indices = @transform_1, window_bounds = array<i64: 128, 128>}, {transform_indices = @transform_2, window_bounds = array<i64: 2, 1024>}, {transform_indices = @transform_3, window_bounds = array<i64: 1024, 128>}]} {
    %get3A = arith.constant 0 : index
    %get3A_0 = arith.constant 0 : index
    %get3A_1 = vector.load %arg3[%get3A, %get3A_0] : memref<2x1024xf32, #tpu.memory_space<vmem>>, vector<2x1024xf32>
    %broadcast_in_dim3A = arith.constant 1.000000e+00 : f32
    %broadcast_in_dim3A_2 = vector.broadcast %broadcast_in_dim3A : f32 to vector<2x1xf32>
    %dot_general3A = arith.constant dense<0.000000e+00> : vector<1024x1xf32>
    %dot_general3A_3 = tpu.matmul %get3A_1, %broadcast_in_dim3A_2, %dot_general3A {dimension_numbers = #tpu.dot_dimension_numbers<[0], [0], [1], [1], [0, 1, 1, 1], [], []>, transpose_lhs_hint = false} : vector<2x1024xf32>, vector<2x1xf32>, vector<1024x1xf32> -> vector<1024x1xf32>
    %add3A = arith.constant 1.000000e+00 : f32
    %add3A_4 = vector.broadcast %add3A : f32 to vector<1024x1xf32>
    %add3A_5 = arith.addf %dot_general3A_3, %add3A_4 : vector<1024x1xf32>
    %rsqrt3A = math.rsqrt %add3A_5 : vector<1024x1xf32>
    %get3A_6 = arith.constant 0 : index
    %get3A_7 = arith.constant 0 : index
    %get3A_8 = vector.load %arg1[%get3A_6, %get3A_7] : memref<1024x128xf32, #tpu.memory_space<vmem>>, vector<1024x128xf32>
    %get3A_9 = arith.constant 0 : index
    %get3A_10 = arith.constant 0 : index
    %get3A_11 = vector.load %arg2[%get3A_9, %get3A_10] : memref<128x128xf32, #tpu.memory_space<vmem>>, vector<128x128xf32>
    %dot_general3A_12 = arith.constant dense<0.000000e+00> : vector<1024x128xf32>
    %dot_general3A_13 = tpu.matmul %get3A_8, %get3A_11, %dot_general3A_12 {dimension_numbers = #tpu.dot_dimension_numbers<[1], [0], [0], [1], [0, 0, 1, 1], [], []>, transpose_lhs_hint = false} : vector<1024x128xf32>, vector<128x128xf32>, vector<1024x128xf32> -> vector<1024x128xf32>
    %mul3A = vector.broadcast %rsqrt3A : vector<1024x1xf32> to vector<1024x128xf32>
    %mul3A_14 = arith.mulf %dot_general3A_13, %mul3A : vector<1024x128xf32>
    %swap3A = arith.constant 0 : index
    %swap3A_15 = arith.constant 0 : index
    %swap3A_16 = vector.load %arg4[%swap3A, %swap3A_15] : memref<1024x128xf32, #tpu.memory_space<vmem>>, vector<1024x128xf32>
    tpu.vector_store %arg4[%swap3A, %swap3A_15], %mul3A_14 {strides = array<i32>} : memref<1024x128xf32, #tpu.memory_space<vmem>>, vector<1024x128xf32>,
    return
  }
  func.func @transform_0(%arg0: i32) -> (i32, i32) {
    %c0_i32 = arith.constant 0 : i32
    %c0_i32_0 = arith.constant 0 : i32
    return %arg0, %c0_i32 : i32, i32
  }
  func.func @transform_1(%arg0: i32) -> (i32, i32) {
    %c0_i32 = arith.constant 0 : i32
    %c0_i32_0 = arith.constant 0 : i32
    %c0_i32_1 = arith.constant 0 : i32
    return %c0_i32, %c0_i32_0 : i32, i32
  }
  func.func @transform_2(%arg0: i32) -> (i32, i32) {
    %c0_i32 = arith.constant 0 : i32
    %c0_i32_0 = arith.constant 0 : i32
    return %c0_i32, %arg0 : i32, i32
  }
  func.func @transform_3(%arg0: i32) -> (i32, i32) {
    %c0_i32 = arith.constant 0 : i32
    %c0_i32_0 = arith.constant 0 : i32
    return %arg0, %c0_i32 : i32, i32
  }
}

module attributes {stable_mosaic.version = 14 : i64} {
  func.func @_fin_body(%arg0: i32, %arg1: memref<2x1024x128xf32, #tpu.memory_space<vmem>>, %arg2: memref<1024x128xf32, #tpu.memory_space<vmem>>, %arg3: memref<2x1024xf32, #tpu.memory_space<vmem>>, %arg4: memref<1x128xf32, #tpu.memory_space<vmem>>, %arg5: memref<1024x128xf32, #tpu.memory_space<vmem>>) attributes {dimension_semantics = [#tpu.dimension_semantics<arbitrary>], iteration_bounds = array<i64: 10>, scalar_prefetch = 0 : i64, scratch_operands = 0 : i64, tpu.core_type = #tpu.core_type<tc>, window_params = [{transform_indices = @transform_0, window_bounds = array<i64: 2, 1024, 128>}, {transform_indices = @transform_1, window_bounds = array<i64: 1024, 128>}, {transform_indices = @transform_2, window_bounds = array<i64: 2, 1024>}, {pipeline_mode = #tpu.pipeline_mode<synchronous>, transform_indices = @transform_3, window_bounds = array<i64: 1, 128>}, {transform_indices = @transform_4, window_bounds = array<i64: 1024, 128>}]} {
    %get3A = arith.constant 0 : index
    %get3A_0 = arith.constant 0 : index
    %get3A_1 = vector.load %arg3[%get3A, %get3A_0] : memref<2x1024xf32, #tpu.memory_space<vmem>>, vector<2x1024xf32>
    %broadcast_in_dim3A = arith.constant 1.000000e+00 : f32
    %broadcast_in_dim3A_2 = vector.broadcast %broadcast_in_dim3A : f32 to vector<2x1xf32>
    %dot_general3A = arith.constant dense<0.000000e+00> : vector<1024x1xf32>
    %dot_general3A_3 = tpu.matmul %get3A_1, %broadcast_in_dim3A_2, %dot_general3A {dimension_numbers = #tpu.dot_dimension_numbers<[0], [0], [1], [1], [0, 1, 1, 1], [], []>, transpose_lhs_hint = false} : vector<2x1024xf32>, vector<2x1xf32>, vector<1024x1xf32> -> vector<1024x1xf32>
    %add3A = arith.constant 1.000000e+00 : f32
    %add3A_4 = vector.broadcast %add3A : f32 to vector<1024x1xf32>
    %add3A_5 = arith.addf %dot_general3A_3, %add3A_4 : vector<1024x1xf32>
    %rsqrt3A = math.rsqrt %add3A_5 : vector<1024x1xf32>
    %get3A_6 = arith.constant 0 : index
    %get3A_7 = arith.constant 0 : index
    %get3A_8 = arith.constant 0 : index
    %get3A_9 = vector.load %arg1[%get3A_6, %get3A_7, %get3A_8] : memref<2x1024x128xf32, #tpu.memory_space<vmem>>, vector<1x1024x128xf32>
    %get3A_10 = vector.shape_cast %get3A_9 : vector<1x1024x128xf32> to vector<1024x128xf32>
    %get3A_11 = arith.constant 1 : index
    %get3A_12 = arith.constant 0 : index
    %get3A_13 = arith.constant 0 : index
    %get3A_14 = vector.load %arg1[%get3A_11, %get3A_12, %get3A_13] : memref<2x1024x128xf32, #tpu.memory_space<vmem>>, vector<1x1024x128xf32>
    %get3A_15 = vector.shape_cast %get3A_14 : vector<1x1024x128xf32> to vector<1024x128xf32>
    %add3A_16 = arith.addf %get3A_10, %get3A_15 : vector<1024x128xf32>
    %get3A_17 = arith.constant 0 : index
    %get3A_18 = arith.constant 0 : index
    %get3A_19 = vector.load %arg2[%get3A_17, %get3A_18] : memref<1024x128xf32, #tpu.memory_space<vmem>>, vector<1024x128xf32>
    %add3A_20 = arith.addf %add3A_16, %get3A_19 : vector<1024x128xf32>
    %mul3A = vector.broadcast %rsqrt3A : vector<1024x1xf32> to vector<1024x128xf32>
    %mul3A_21 = arith.mulf %add3A_20, %mul3A : vector<1024x128xf32>
    %get3A_22 = arith.constant 0 : index
    %get3A_23 = arith.constant 0 : index
    %get3A_24 = vector.load %arg4[%get3A_22, %get3A_23] : memref<1x128xf32, #tpu.memory_space<vmem>>, vector<1x128xf32>
    %add3A_25 = vector.broadcast %get3A_24 : vector<1x128xf32> to vector<1024x128xf32>
    %add3A_26 = arith.addf %mul3A_21, %add3A_25 : vector<1024x128xf32>
    %swap3A = arith.constant 0 : index
    %swap3A_27 = arith.constant 0 : index
    %swap3A_28 = vector.load %arg5[%swap3A, %swap3A_27] : memref<1024x128xf32, #tpu.memory_space<vmem>>, vector<1024x128xf32>
    tpu.vector_store %arg5[%swap3A, %swap3A_27], %add3A_26 {strides = array<i32>} : memref<1024x128xf32, #tpu.memory_space<vmem>>, vector<1024x128xf32>,
    return
  }
  func.func @transform_0(%arg0: i32) -> (i32, i32, i32) {
    %c0_i32 = arith.constant 0 : i32
    %c0_i32_0 = arith.constant 0 : i32
    %c0_i32_1 = arith.constant 0 : i32
    return %c0_i32, %arg0, %c0_i32_0 : i32, i32, i32
  }
  func.func @transform_1(%arg0: i32) -> (i32, i32) {
    %c0_i32 = arith.constant 0 : i32
    %c0_i32_0 = arith.constant 0 : i32
    return %arg0, %c0_i32 : i32, i32
  }
  func.func @transform_2(%arg0: i32) -> (i32, i32) {
    %c0_i32 = arith.constant 0 : i32
    %c0_i32_0 = arith.constant 0 : i32
    return %c0_i32, %arg0 : i32, i32
  }
  func.func @transform_3(%arg0: i32) -> (i32, i32) {
    %c0_i32 = arith.constant 0 : i32
    %c0_i32_0 = arith.constant 0 : i32
    %c0_i32_1 = arith.constant 0 : i32
    return %c0_i32, %c0_i32_0 : i32, i32
  }
  func.func @transform_4(%arg0: i32) -> (i32, i32) {
    %c0_i32 = arith.constant 0 : i32
    %c0_i32_0 = arith.constant 0 : i32
    return %arg0, %c0_i32 : i32, i32
  }
}

</mosaic_0001>

<sc_bundles>
// kernel: kernel.6.cloned.1.call-start
scs
__scs_entry_jumppad:
0x0: {  	(pc) =	sbr.rel $0x88, $3  }
0x1: {  	(tag) =	ssettag $0x0;
	lr =	simm.s32 $0x1  }
0x2: {  	[smem:$0x3F9D] =	sst lr;
	_ =	strace $0xD0000000  }
0x3: {  	_ = 	snop  }
0x4: {  	_ = 	snop  }
0x5: {  	_ = 	snop  }
0x6: {  	_ = 	snop  }
0x7: {  	_ = 	snop  }
__scs_overlays_trampoline_lowered:
0x8: {  	[smem:$0x3FAC] =	sst s0  }
0x9: {  	[smem:$0x3FAD] =	sst s1  }
0xa: {  	[smem:$0x3FAE] =	sst s2  }
0xb: {  	[smem:$0x3FAF] =	sst s3  }
0xc: {  	[smem:$0x3FB0] =	sst s4  }
0xd: {  	[smem:$0x3FB1] =	sst s5  }
0xe: {  	[smem:$0x3FB2] =	sst s6  }
0xf: {  	[smem:$0x3FB3] =	sst s7  }
0x10: {  	[smem:$0x3FB4] =	sst s8  }
0x11: {  	[smem:$0x3FB5] =	sst s9;
	s0 =	simm.s32 @!p0 $0x0  }
0x12: {  	s1 =	sld [smem:$0x3F9B];
	s0 =	simm.s32 @p0 $0x1  }
0x13: {  	[smem:$0x3FB6] =	sst s0;
	s0 =	simm.s32 @!p1 $0x0  }
0x14: {  	s2 =	sld [smem:$0x3F9A];
	s0 =	simm.s32 @p1 $0x1  }
0x15: {  	[smem:$0x3FB7] =	sst s0;
	s0 =	simm.s32 @!p2 $0x0  }
0x16: {  	s3 =	sld [smem:$0x3FDB];
	s0 =	simm.s32 @p2 $0x1  }
0x17: {  	s4 =	simm.s32 $0x1BF5;
	[smem:$0x3FB9] =	sst s0  }
0x18: {  	s0 =	sld [smem:$0x3F9C];
	_ =	swait.ge [sflag:s4], $0x0  }
0x19: {  	s7 =	sld [smem:$0x3F9D]  }
0x1a: {  	s8 =	sadd.s32 $0xFFFFE003, lr  }
0x1b: {  	s9 =	sadd.s32 $0xFFFFFEF7, lr;
	s5 =	simm.s32 $0xFFFFFFFF;
	p2 =	slt.u32 s8, $0xFFFFF086  }
0x1c: {  	p1 =	slt.u32 s9, $0xF7A;
	s5 =	simm.s32 @!p2 $0x0  }
0x1d: {  	s5 =	simm.s32 @p1 $0x1;
	p0 =	seq.s32 s7, s2  }
0x1e: {  	s7 =	smul.u32 @!p0 $0xF7A, s2;
	p2 =	seq.s32 @!p0 s5, $0x0  }
0x1f: {  	s9 =	smul.u32 $0xF7A, s1;
	s8 =	simm.s32 @!p0 $0x1BF5;
	p2 =	por !p2, p0  }
0x20: {  	[sflag:s8] =	ssyncset.s32 @!p0 $0xFFFFF086;
	s6 =	sadd.s32 @!p0 s3, s7;
	s7 =	simm.s32 @!p0 $0x108  }
0x21: {  	s3 =	sadd.s32 s3, s9;
	s6 =	sadd.s32 @!p0 $0x88, s6;
	s7 =	simm.s32 @p2 $0x1082  }
0x22: {  	[simem:s7], [sflag:s8] =	dma.local @!p0 [hbm:s6], $0xF7A  }
0x23: {  	s9 =	sor.u32 $0xD0000000, s2;
	s6 =	simm.s32 $0x108;
	_ =	swait.ge @!p0 [sflag:s8], $0x0  }
0x24: {  	s3 =	sadd.s32 $0x88, s3;
	s6 =	simm.s32 @!p1 $0x1082;
	[sflag:s4] =	ssyncset.s32 $0xFFFFF086  }
0x25: {  	[simem:s6], [sflag:s4] =	dma.local [hbm:s3], $0xF7A  }
0x26: {  	[smem:$0x3F9D] =	sst s1;
	(tag) =	ssettag s2;
	_ =	strace s9  }
0x27: {  	s1 =	sld [smem:$0x3FAD]  }
0x28: {  	s2 =	sld [smem:$0x3FAE]  }
0x29: {  	s4 =	sld [smem:$0x3FB0]  }
0x2a: {  	p0 =	seq.s32 s5, $0x0;
	s5 =	sld [smem:$0x3FB1]  }
0x2b: {  	s6 =	sld [smem:$0x3FB2]  }
0x2c: {  	s7 =	sld [smem:$0x3FB3]  }
0x2d: {  	s3 =	simm.s32 $0x108;
	s8 =	sld [smem:$0x3FB4]  }
0x2e: {  	s3 =	simm.s32 @!p0 $0x1082;
	s9 =	sld [smem:$0x3FB5]  }
0x2f: {  	lr =	sadd.s32 s0, s3;
	s0 =	sld [smem:$0x3FAC]  }
0x30: {  	s3 =	sld [smem:$0x3FAF]  }
0x31: {  	[smem:$0x3FB8] =	sst s10  }
0x32: {  	s10 =	sld [smem:$0x3FB6];
	_ =	sdelay $0x3  }
0x33: {  	p0 =	seq.s32 s10, $0x1;
	s10 =	sld [smem:$0x3FB8];
	_ =	sdelay $0x3  }
0x34: {  	[smem:$0x3FB8] =	sst s10  }
0x35: {  	s10 =	sld [smem:$0x3FB7];
	_ =	sdelay $0x3  }
0x36: {  	p1 =	seq.s32 s10, $0x1;
	s10 =	sld [smem:$0x3FB8];
	_ =	sdelay $0x3  }
0x37: {  	[smem:$0x3FB8] =	sst s10  }
0x38: {  	s10 =	sld [smem:$0x3FB9]  }
0x39: {  	_ = 	snop;
	(pc) =	sbr.ind lr, $3  }
0x3a: {  	_ = 	snop  }
0x3b: {  	_ = 	snop  }
0x3c: {  	p2 =	seq.s32 s10, $0x1;
	s10 =	sld [smem:$0x3FB8]  }
0x3d: {  	_ =	shalt  }
0x3e: {  	_ =	shalt  }
0x3f: {  	_ =	shalt  }
0x40: {  	_ =	shalt  }
0x41: {  	_ =	shalt  }
0x42: {  	_ =	shalt  }
0x43: {  	_ =	shalt  }
0x44: {  	_ =	shalt  }
0x45: {  	_ =	shalt  }
0x46: {  	_ =	shalt  }
0x47: {  	_ =	shalt  }
0x48: {  	_ =	shalt  }
0x49: {  	_ =	shalt  }
0x4a: {  	_ =	shalt  }
0x4b: {  	_ =	shalt  }
0x4c: {  	_ =	shalt  }
0x4d: {  	_ =	shalt  }
0x4e: {  	_ =	shalt  }
0x4f: {  	_ =	shalt  }
0x50: {  	_ =	shalt  }
0x51: {  	_ =	shalt  }
0x52: {  	_ =	shalt  }
0x53: {  	_ =	shalt  }
0x54: {  	_ =	shalt  }
0x55: {  	_ =	shalt  }
0x56: {  	_ =	shalt  }
0x57: {  	_ =	shalt  }
0x58: {  	_ =	shalt  }
0x59: {  	_ =	shalt  }
0x5a: {  	_ =	shalt  }
0x5b: {  	_ =	shalt  }
0x5c: {  	_ =	shalt  }
0x5d: {  	_ =	shalt  }
0x5e: {  	_ =	shalt  }
0x5f: {  	_ =	shalt  }
0x60: {  	_ =	shalt  }
0x61: {  	_ =	shalt  }
0x62: {  	_ =	shalt  }
0x63: {  	_ =	shalt  }
0x64: {  	_ =	shalt  }
0x65: {  	_ =	shalt  }
0x66: {  	_ =	shalt  }
0x67: {  	_ =	shalt  }
0x68: {  	_ =	shalt  }
0x69: {  	_ =	shalt  }
0x6a: {  	_ =	shalt  }
0x6b: {  	_ =	shalt  }
0x6c: {  	_ =	shalt  }
0x6d: {  	_ =	shalt  }
0x6e: {  	_ =	shalt  }
0x6f: {  	_ =	shalt  }
0x70: {  	_ =	shalt  }
0x71: {  	_ =	shalt  }
0x72: {  	_ =	shalt  }
0x73: {  	_ =	shalt  }
0x74: {  	_ =	shalt  }
0x75: {  	_ =	shalt  }
0x76: {  	_ =	shalt  }
0x77: {  	_ =	shalt  }
0x78: {  	_ =	shalt  }
0x79: {  	_ =	shalt  }
0x7a: {  	_ =	shalt  }
0x7b: {  	_ =	shalt  }
0x7c: {  	_ =	shalt  }
0x7d: {  	_ =	shalt  }
0x7e: {  	_ =	shalt  }
0x7f: {  	_ =	shalt  }
0x80: {  	_ =	shalt  }
0x81: {  	_ =	shalt  }
0x82: {  	_ =	shalt  }
0x83: {  	_ =	shalt  }
0x84: {  	_ =	shalt  }
0x85: {  	_ =	shalt  }
0x86: {  	_ =	shalt  }
0x87: {  	_ =	shalt  }
.Lfunc_end0:
.L_simem_size_0:
called_computation_lowered:
.L_overlay_start_0:
0x88: {  	s2 =	sld [smem:$0x3FD9]  }
0x89: {  	s3 =	sld [smem:$0x3FFE];
	_ =	sdelay $0x1  }
0x8a: {  	s1 =	srdreg.scid  }
0x8b: {  	s0 =	sand.u32 $0x1, s1  }
0x8c: {  	s17 =	sshll.u32 s0, $0xA;
	s2 =	sadd.s32 s3, s2  }
0x8d: {  	s2 =	sadd.s32 s2, s17  }
0x8e: {  	[smem:$0x3FC4] =	sst s2  }
0x8f: {  	_ = 	snop  }
0x90: {  	s2 =	sld [smem:$0x3FD0];
	(tm) =	ssettm $0x1  }
0x91: {  	s18 =	sld [smem:$0x3FFB];
	_ =	sdelay $0x3  }
0x92: {  	_ =	strace s18  }
0x93: {  	s3 =	sld [smem:$0x3FFC];
	_ =	sdelay $0x3  }
0x94: {  	_ =	strace s3  }
0x95: {  	s3 =	sld [smem:$0x3FFD];
	_ =	sdelay $0x3  }
0x96: {  	_ =	strace s3  }
0x97: {  	_ =	strace $0x8FFFFFFF  }
0x98: {  	s19 =	sld [smem:$0x3FDB];
	_ =	sdelay $0x1  }
0x99: {  	s4 =	simm.s32 $_scs_section_size  }
0x9a: {  	s5 =	simm.s32 $_size__tile_overlayer_lowered;
	s6 =	simm.s32 $_tile_overlayer_lowered  }
0x9b: {  	s22 =	simm.s32 $0x1BFF;
	s21 =	sshll.u32 s6, $0x1;
	s3 =	sadd.s32 s4, s19  }
0x9c: {  	s7 =	simm.s32 $0x0;
	s20 =	sshll.u32 s5, $0x1;
	s5 =	sadd.s32 s21, s3  }
0x9d: {  	[timem:s7], [sflag:s22] =	dma.local [hbm:s5], s20  }
0x9e: {  	_ =	swait.ge [sflag:s22], s20  }
0x9f: {  	s4 =	ssub.s32 $0x0, s20;
	[sflag:s22] =	ssyncset.done $0x0  }
0xa0: {  	[sflag:s22] =	ssyncadd.s32 s4;
	_ =	sdelay $0x1  }
0xa1: {  	s23 =	simm.s32 $0x1B8B  }
0xa2: {  	_ =	swait.ge [sflag:s23], $0x1  }
0xa3: {  	[sflag:s23] =	ssyncset.done $0x0  }
0xa4: {  	s25 =	simm.s32 $0x1B8E;
	s24 =	sld [smem:$0x3FFE];
	[sflag:s23] =	ssyncadd.s32 $0xFFFFFFFF  }
0xa5: {  	s26 =	simm.s32 $execute0_lowered;
	[smem:$0x3FD2] =	sst s25  }
0xa6: {  	s5 =	sshll.u32 s26, $0x1;
	_ =	strace $0x80000046;
	[dreg:$0x1] =	wrdreg $0xFFFFFFFF  }
0xa7: {  	s28 =	simm.s32 $_size_execute0_lowered;
	s3 =	sadd.s32 s3, s5;
	[dreg:$0x0] =	wrdreg $0x0  }
0xa8: {  	s5 =	sshll.u32 s28, $0x1;
	[dreg:$0x2] =	wrdreg s3  }
0xa9: {  	[dreg:$0x3] =	wrdreg s5  }
0xaa: {  	[dreg:$0x4] =	wrdreg $0xC0  }
0xab: {  	_ =	task [dreg:s7], $0x5FFFF  }
0xac: {  	[dreg:$0x1] =	wrdreg $0xFFFFFFFF  }
0xad: {  	[dreg:$0x0] =	wrdreg $0x60  }
0xae: {  	[dreg:$0x2] =	wrdreg s24  }
0xaf: {  	[dreg:$0x3] =	wrdreg s2  }
0xb0: {  	[dreg:$0x4] =	wrdreg $0x32800  }
0xb1: {  	[dreg:$0x5] =	wrdreg $0x9  }
0xb2: {  	_ =	task.clear_ibuf [dreg:s7], $0x6FFFF;
	_ =	strace $0x90000046  }
0xb3: {  	s29 =	simm.s32 $0x9;
	_ =	strace $0x80000048  }
0xb4: {  	_ =	swait.ge [sflag:s29], $0x1  }
0xb5: {  	[sflag:s29] =	ssyncadd.s32 $0xFFFFFFFF  }
0xb6: {  	_ =	strace $0x90000048  }
0xb7: {  	_ =	sfence  }
0xb8: {  	s30 =	sld [smem:$0x0];
	_ =	sdelay $0x2  }
0xb9: {  	s31 =	sshll.u32 s1, $0xD;
	s1 =	sshrl.u32 s1, $0x2  }
0xba: {  	s3 =	sand.u32 $0x4000, s31;
	s1 =	sadd.s32 s1, s30  }
0xbb: {  	s0 =	sor.u32 s3, s0;
	s1 =	sshll.u32 s1, $0x11  }
0xbc: {  	s0 =	sor.u32 s1, s0  }
0xbd: {  	s0 =	sadd.s32 $0x8F2B, s0  }
0xbe: {  	[sflag:s0] =	ssyncadd.remote.s32 $0x1  }
0xbf: {  	_ =	sfence.sel $0xFFFF  }
0xc0: {  	[dreg:$0x0] =	wrdreg $0xFFFFFFFF;
	(pc) =	sbr.abs _section_cstart, $3  }
0xc1: {  	[dreg:$0x1] =	wrdreg $0xFFFFFFFF  }
0xc2: {  	_ =	task.clear_ibuf [dreg:s7], $0x2FFFF;
	_ =	strace $0x9FFFFFFF  }
0xc3: {  	(tm) =	ssettm $0x7FFFFFFF  }
tec
execute0_lowered:
.L_overlay_start_1:
0x0: {  	(tag) =	ssettag $0x1  }
0x1: {  	s3 =	rddreg [dreg:$0x0]  }
0x2: {  	s0 =	srdreg.scid;
	s4 =	rddreg [dreg:$0x1]  }
0x3: {  	s10 =	stileid.u32;
	s1 =	rddreg [dreg:$0x2]  }
0x4: {  	s2 =	simm.s32 $0x0;
	s11 =	simm.s32 $0x80;
	s12 =	simm.s32 $0x2800  }
0x5: {  	s5 =	sand.u32 $0x1, s0;
	s7 =	smul.u32 $0x2800, s10;
	s0 =	rddreg [dreg:$0x3]  }
0x6: {  	[smem:$0x7FF] =	sst s2;
	s6 =	smul.u32 $0x28000, s5;
	s8 =	sshll.u32 s5, $0x4  }
0x7: {  	s5 =	ssub.s32 $0x2, s5;
	_ =	strace $0x80000047;
	s30 =	sor.u32 s10, s8  }
0x8: {  	s31 =	sshrl.u32 s5, $0x1;
	s4 =	sadd.s32 s4, s8;
	s8 =	sadd.s32 $0x1E00, s1  }
0x9: {  	s6 =	sadd.s32 s6, s7;
	s9 =	smul.u32 $0xFFFFFFB0, s30;
	s5 =	ssub.s32 s5, s31  }
0xa: {  	s7 =	sadd.s32 $0x1400, s1;
	s6 =	sshrl.u32 s6, $0x3;
	s5 =	smax.u32 s5, $0x1  }
0xb: {  	s3 =	sadd.s32 s3, s6;
	p0 =	slt.s32 s9, $0xFFFFF68C;
	s6 =	sadd.s32 $0xA00, s1  }
0xc: {  	s3 =	sadd.s32 $0xBC00, s3;
	s9 =	simm.s32 @!p0 $0xFFFFF68C;
	p0 =	sne.s32 s10, $0x0  }
0xd: {  	v0 =	vimm.f32 $1.000000000e+00;
	v1 =	vimm.f32 $0.0e+00;
	s10 =	simm.s32 $0x1;
	s9 =	sadd.s32 $0x9C3, s9;
	s13 =	sshrl.u32 @!p0 s1, $0x3  }
.LBB2_1:
0xe: {  	[tilespmem:$0x2800] =	vst v0  }
0xf: {  	[tilespmem:$0x2810] =	vst v0  }
0x10: {  	[tilespmem:$0x2820] =	vst v0  }
0x11: {  	[tilespmem:$0x2830] =	vst v0  }
0x12: {  	[tilespmem:$0x2840] =	vst v0  }
0x13: {  	[tilespmem:$0x2850] =	vst v0  }
0x14: {  	[tilespmem:$0x2860] =	vst v0  }
0x15: {  	[tilespmem:$0x2870] =	vst v0;
	s14 =	simm.s32 $0x40;
	s15 =	simm.s32 $0x0  }
.LBB2_2:
0x16: {  	p1 =	sne.s32 s14, $0x27C0;
	[tilespmem:s15+$0x2880] =	vst v1;
	s15 =	smov.u32 s14;
	s14 =	sadd.s32 $0x40, s14  }
.Ltmp0:
0x17: {  	(pc) =	sbr.rel @p1 .LBB2_2-.Ltmp0, $2  }
0x18: {  	_ =	sdelay $0x2  }
0x19: {  	s15 =	sshra.s32 s15, $0x2  }
0x1a: {  	[tilespmem:s15+$0x2880] =	vst v1;
	s15 =	simm.s32 @!p0 $0x2880;
	s14 =	simm.s32 @!p0 $0x1  }
0x1b: {  	[spmem:s1] =	stream.linear.scatter @!p0 [tilespmem:s15], [sflag:$0x1], $0xA00, $0x38;
	[tilespmem:$0x3500] =	vst v63  }
0x1c: {  	_ =	swait.ge @!p0 [sflag:s14], $0xA00  }
0x1d: {  	[sflag:s14] =	ssyncset.done @!p0 $0x0  }
0x1e: {  	[sflag:s14] =	ssyncadd.s32 @!p0 $0xFFFFF600  }
0x1f: {  	[spmem:s6] =	stream.linear.scatter @!p0 [tilespmem:s15], [sflag:$0x1], $0xA00, $0x38;
	[tilespmem:$0x3500] =	vst v63  }
0x20: {  	_ =	swait.ge @!p0 [sflag:s14], $0xA00  }
0x21: {  	[sflag:s14] =	ssyncset.done @!p0 $0x0  }
0x22: {  	[sflag:s14] =	ssyncadd.s32 @!p0 $0xFFFFF600  }
0x23: {  	[spmem:s7] =	stream.linear.scatter @!p0 [tilespmem:s15], [sflag:$0x1], $0xA00, $0x38;
	[tilespmem:$0x3500] =	vst v63  }
0x24: {  	_ =	swait.ge @!p0 [sflag:s14], $0xA00  }
0x25: {  	[sflag:s14] =	ssyncset.done @!p0 $0x0  }
0x26: {  	[sflag:s14] =	ssyncadd.s32 @!p0 $0xFFFFF600  }
0x27: {  	[spmem:s8] =	stream.linear.scatter @!p0 [tilespmem:s15], [sflag:$0x1], $0xA00, $0x38;
	[tilespmem:$0x3500] =	vst v63  }
0x28: {  	_ =	swait.ge @!p0 [sflag:s14], $0xA00  }
0x29: {  	[sflag:s14] =	ssyncset.done @!p0 $0x0  }
0x2a: {  	[sflag:s14] =	ssyncadd.s32 @!p0 $0xFFFFF600  }
0x2b: {  	s15 =	simm.s32 $0x0;
	[bflag:$0x0] =	sbarrier.arrive $0xFFFF  }
0x2c: {  	[tilespmem:s15], [sflag:$0x1] =	stream.linear.gather [hbm4b:s3+s15], $0x2800, $0x38;
	[tilespmem:$0x3500] =	vst v63  }
0x2d: {  	p1 =	sgt.u32 s9, $0x0;
	_ =	swait.ge [sflag:s10], $0x2800  }
.Ltmp1:
0x2e: {  	[sflag:s10] =	ssyncset.done $0x0;
	(pc) =	sbr.rel @!p1 .LBB2_5-.Ltmp1, $4  }
0x2f: {  	[sflag:s10] =	ssyncadd.s32 $0xFFFFD800  }
0x30: {  	[spmem:s1] =	stream.indirect.scatter.add.f32 [tilespmem:s12], [sflag:$0x1], $0x1, s15, s11, $0xb8;
	[tilespmem:$0x3500] =	vst v63  }
0x31: {  	_ =	swait.ge [sflag:s10], $0x80  }
0x32: {  	s16 =	simm.s32 $0x0;
	[sflag:s10] =	ssyncset.done $0x0  }
.LBB2_4:
0x33: {  	s16 =	sadd.s32 $0x1, s16  }
0x34: {  	[sflag:s10] =	ssyncadd.s32 $0xFFFFFF80;
	s15 =	sadd.s32 $0x80, s15;
	p1 =	slt.u32 s16, s9  }
.Ltmp2:
0x35: {  	(pc) =	sbr.rel @p1 .LBB2_4-.Ltmp2, $4  }
0x36: {  	_ = 	snop  }
0x37: {  	[spmem:s1] =	stream.indirect.scatter.add.f32 [tilespmem:s12], [sflag:$0x1], $0x1, s15, s11, $0xb8;
	[tilespmem:$0x3500] =	vst v63  }
0x38: {  	_ =	swait.ge [sflag:s10], $0x80  }
0x39: {  	[sflag:s10] =	ssyncset.done $0x0  }
.LBB2_5:
0x3a: {  	[sflag:s10] =	ssyncadd.s32 $0xFFFFFF80;
	s2 =	sadd.s32 $0x1, s2  }
0x3b: {  	s15 =	simm.s32 @!p0 $0x20;
	s16 =	simm.s32 @!p0 $0x10;
	p1 =	sne.s32 s2, s5  }
.Ltmp3:
0x3c: {  	s17 =	simm.s32 @!p0 $0x1C01;
	[bflag:$0x0] =	sbarrier.arrive $0xFFFF;
	(pc) =	sbr.rel @p1 .LBB2_1-.Ltmp3, $4  }
0x3d: {  	[hbm:s4@s15], [sflag:s17] =	dma.strided @!p0 [spmem:s13@s16], $0x500, s14, $0x10   }
0x3e: {  	_ =	swait.ge @!p0 [sflag:s14], $0x500  }
0x3f: {  	[sflag:s14] =	ssyncset.done @!p0 $0x0  }
0x40: {  	[sflag:s14] =	ssyncadd.s32 @!p0 $0xFFFFFB00  }
0x41: {  	_ =	sfence.sel $0x180000  }
0x42: {  	[bflag:$0x0] =	sbarrier.arrive $0xFFFF  }
0x43: {  	_ =	strace $0x90000047  }
0x44: {  	s0 =	sadd.s32 @!p0 $0x100000, s0;
	[bflag:$0x2] =	sbarrier.arrive $0xFFFF  }
0x45: {  	[sflag:s0] =	ssyncadd.tile.s32 @!p0 $0x1;
	_ =	shalt  }
.Lfunc_end2:
_tile_overlayer_lowered:
.L_overlay_start_2:
0x46: {  	(tag) =	ssettag $0x2  }
0x47: {  	s0 =	rddreg [dreg:$0x0];
	s2 =	stileid.u32  }
0x48: {  	s1 =	rddreg [dreg:$0x1];
	p0 =	sne.s32 s2, $0x0  }
0x49: {  	s3 =	rddreg [dreg:$0x2];
	[bflag:$0x3] =	sbarrier.arrive $0xFFFF;
	s2 =	simm.s32 @!p0 $0x1C01  }
0x4a: {  	[timem:s3], [sflag:s2] =	dma.local @!p0 [hbm:s0], s1  }
0x4b: {  	s0 =	simm.s32 @!p0 $0x1  }
0x4c: {  	_ =	swait.ge @!p0 [sflag:s0], s1  }
0x4d: {  	s1 =	ssub.s32 @!p0 $0x0, s1;
	[sflag:s0] =	ssyncset.done @!p0 $0x0  }
0x4e: {  	[sflag:s0] =	ssyncadd.s32 @!p0 s1  }
0x4f: {  	[bflag:$0x3] =	sbarrier.arrive $0xFFFF  }
0x50: {  	_ =	shalt  }

// kernel: kernel.9.cloned.1.call-start
scs
__scs_entry_jumppad:
0x0: {  	(pc) =	sbr.rel $0x88, $3  }
0x1: {  	(tag) =	ssettag $0x0;
	lr =	simm.s32 $0x1  }
0x2: {  	[smem:$0x3F9D] =	sst lr;
	_ =	strace $0xD0000000  }
0x3: {  	_ = 	snop  }
0x4: {  	_ = 	snop  }
0x5: {  	_ = 	snop  }
0x6: {  	_ = 	snop  }
0x7: {  	_ = 	snop  }
__scs_overlays_trampoline_lowered:
0x8: {  	[smem:$0x3FAC] =	sst s0  }
0x9: {  	[smem:$0x3FAD] =	sst s1  }
0xa: {  	[smem:$0x3FAE] =	sst s2  }
0xb: {  	[smem:$0x3FAF] =	sst s3  }
0xc: {  	[smem:$0x3FB0] =	sst s4  }
0xd: {  	[smem:$0x3FB1] =	sst s5  }
0xe: {  	[smem:$0x3FB2] =	sst s6  }
0xf: {  	[smem:$0x3FB3] =	sst s7  }
0x10: {  	[smem:$0x3FB4] =	sst s8  }
0x11: {  	[smem:$0x3FB5] =	sst s9;
	s0 =	simm.s32 @!p0 $0x0  }
0x12: {  	s1 =	sld [smem:$0x3F9B];
	s0 =	simm.s32 @p0 $0x1  }
0x13: {  	[smem:$0x3FB6] =	sst s0;
	s0 =	simm.s32 @!p1 $0x0  }
0x14: {  	s2 =	sld [smem:$0x3F9A];
	s0 =	simm.s32 @p1 $0x1  }
0x15: {  	[smem:$0x3FB7] =	sst s0;
	s0 =	simm.s32 @!p2 $0x0  }
0x16: {  	s3 =	sld [smem:$0x3FDB];
	s0 =	simm.s32 @p2 $0x1  }
0x17: {  	s4 =	simm.s32 $0x1BF5;
	[smem:$0x3FB9] =	sst s0  }
0x18: {  	s0 =	sld [smem:$0x3F9C];
	_ =	swait.ge [sflag:s4], $0x0  }
0x19: {  	s7 =	sld [smem:$0x3F9D]  }
0x1a: {  	s8 =	sadd.s32 $0xFFFFE003, lr  }
0x1b: {  	s9 =	sadd.s32 $0xFFFFFEF7, lr;
	s5 =	simm.s32 $0xFFFFFFFF;
	p2 =	slt.u32 s8, $0xFFFFF086  }
0x1c: {  	p1 =	slt.u32 s9, $0xF7A;
	s5 =	simm.s32 @!p2 $0x0  }
0x1d: {  	s5 =	simm.s32 @p1 $0x1;
	p0 =	seq.s32 s7, s2  }
0x1e: {  	s7 =	smul.u32 @!p0 $0xF7A, s2;
	p2 =	seq.s32 @!p0 s5, $0x0  }
0x1f: {  	s9 =	smul.u32 $0xF7A, s1;
	s8 =	simm.s32 @!p0 $0x1BF5;
	p2 =	por !p2, p0  }
0x20: {  	[sflag:s8] =	ssyncset.s32 @!p0 $0xFFFFF086;
	s6 =	sadd.s32 @!p0 s3, s7;
	s7 =	simm.s32 @!p0 $0x108  }
0x21: {  	s3 =	sadd.s32 s3, s9;
	s6 =	sadd.s32 @!p0 $0x88, s6;
	s7 =	simm.s32 @p2 $0x1082  }
0x22: {  	[simem:s7], [sflag:s8] =	dma.local @!p0 [hbm:s6], $0xF7A  }
0x23: {  	s9 =	sor.u32 $0xD0000000, s2;
	s6 =	simm.s32 $0x108;
	_ =	swait.ge @!p0 [sflag:s8], $0x0  }
0x24: {  	s3 =	sadd.s32 $0x88, s3;
	s6 =	simm.s32 @!p1 $0x1082;
	[sflag:s4] =	ssyncset.s32 $0xFFFFF086  }
0x25: {  	[simem:s6], [sflag:s4] =	dma.local [hbm:s3], $0xF7A  }
0x26: {  	[smem:$0x3F9D] =	sst s1;
	(tag) =	ssettag s2;
	_ =	strace s9  }
0x27: {  	s1 =	sld [smem:$0x3FAD]  }
0x28: {  	s2 =	sld [smem:$0x3FAE]  }
0x29: {  	s4 =	sld [smem:$0x3FB0]  }
0x2a: {  	p0 =	seq.s32 s5, $0x0;
	s5 =	sld [smem:$0x3FB1]  }
0x2b: {  	s6 =	sld [smem:$0x3FB2]  }
0x2c: {  	s7 =	sld [smem:$0x3FB3]  }
0x2d: {  	s3 =	simm.s32 $0x108;
	s8 =	sld [smem:$0x3FB4]  }
0x2e: {  	s3 =	simm.s32 @!p0 $0x1082;
	s9 =	sld [smem:$0x3FB5]  }
0x2f: {  	lr =	sadd.s32 s0, s3;
	s0 =	sld [smem:$0x3FAC]  }
0x30: {  	s3 =	sld [smem:$0x3FAF]  }
0x31: {  	[smem:$0x3FB8] =	sst s10  }
0x32: {  	s10 =	sld [smem:$0x3FB6];
	_ =	sdelay $0x3  }
0x33: {  	p0 =	seq.s32 s10, $0x1;
	s10 =	sld [smem:$0x3FB8];
	_ =	sdelay $0x3  }
0x34: {  	[smem:$0x3FB8] =	sst s10  }
0x35: {  	s10 =	sld [smem:$0x3FB7];
	_ =	sdelay $0x3  }
0x36: {  	p1 =	seq.s32 s10, $0x1;
	s10 =	sld [smem:$0x3FB8];
	_ =	sdelay $0x3  }
0x37: {  	[smem:$0x3FB8] =	sst s10  }
0x38: {  	s10 =	sld [smem:$0x3FB9]  }
0x39: {  	_ = 	snop;
	(pc) =	sbr.ind lr, $3  }
0x3a: {  	_ = 	snop  }
0x3b: {  	_ = 	snop  }
0x3c: {  	p2 =	seq.s32 s10, $0x1;
	s10 =	sld [smem:$0x3FB8]  }
0x3d: {  	_ =	shalt  }
0x3e: {  	_ =	shalt  }
0x3f: {  	_ =	shalt  }
0x40: {  	_ =	shalt  }
0x41: {  	_ =	shalt  }
0x42: {  	_ =	shalt  }
0x43: {  	_ =	shalt  }
0x44: {  	_ =	shalt  }
0x45: {  	_ =	shalt  }
0x46: {  	_ =	shalt  }
0x47: {  	_ =	shalt  }
0x48: {  	_ =	shalt  }
0x49: {  	_ =	shalt  }
0x4a: {  	_ =	shalt  }
0x4b: {  	_ =	shalt  }
0x4c: {  	_ =	shalt  }
0x4d: {  	_ =	shalt  }
0x4e: {  	_ =	shalt  }
0x4f: {  	_ =	shalt  }
0x50: {  	_ =	shalt  }
0x51: {  	_ =	shalt  }
0x52: {  	_ =	shalt  }
0x53: {  	_ =	shalt  }
0x54: {  	_ =	shalt  }
0x55: {  	_ =	shalt  }
0x56: {  	_ =	shalt  }
0x57: {  	_ =	shalt  }
0x58: {  	_ =	shalt  }
0x59: {  	_ =	shalt  }
0x5a: {  	_ =	shalt  }
0x5b: {  	_ =	shalt  }
0x5c: {  	_ =	shalt  }
0x5d: {  	_ =	shalt  }
0x5e: {  	_ =	shalt  }
0x5f: {  	_ =	shalt  }
0x60: {  	_ =	shalt  }
0x61: {  	_ =	shalt  }
0x62: {  	_ =	shalt  }
0x63: {  	_ =	shalt  }
0x64: {  	_ =	shalt  }
0x65: {  	_ =	shalt  }
0x66: {  	_ =	shalt  }
0x67: {  	_ =	shalt  }
0x68: {  	_ =	shalt  }
0x69: {  	_ =	shalt  }
0x6a: {  	_ =	shalt  }
0x6b: {  	_ =	shalt  }
0x6c: {  	_ =	shalt  }
0x6d: {  	_ =	shalt  }
0x6e: {  	_ =	shalt  }
0x6f: {  	_ =	shalt  }
0x70: {  	_ =	shalt  }
0x71: {  	_ =	shalt  }
0x72: {  	_ =	shalt  }
0x73: {  	_ =	shalt  }
0x74: {  	_ =	shalt  }
0x75: {  	_ =	shalt  }
0x76: {  	_ =	shalt  }
0x77: {  	_ =	shalt  }
0x78: {  	_ =	shalt  }
0x79: {  	_ =	shalt  }
0x7a: {  	_ =	shalt  }
0x7b: {  	_ =	shalt  }
0x7c: {  	_ =	shalt  }
0x7d: {  	_ =	shalt  }
0x7e: {  	_ =	shalt  }
0x7f: {  	_ =	shalt  }
0x80: {  	_ =	shalt  }
0x81: {  	_ =	shalt  }
0x82: {  	_ =	shalt  }
0x83: {  	_ =	shalt  }
0x84: {  	_ =	shalt  }
0x85: {  	_ =	shalt  }
0x86: {  	_ =	shalt  }
0x87: {  	_ =	shalt  }
.Lfunc_end0:
.L_simem_size_0:
called_computation.1_lowered:
.L_overlay_start_0:
0x88: {  	s2 =	sld [smem:$0x3FD9]  }
0x89: {  	s3 =	sld [smem:$0x3FFE];
	_ =	sdelay $0x1  }
0x8a: {  	s1 =	srdreg.scid  }
0x8b: {  	s0 =	sand.u32 $0x1, s1  }
0x8c: {  	s17 =	sshll.u32 s0, $0xA;
	s2 =	sadd.s32 s3, s2  }
0x8d: {  	s2 =	sadd.s32 s2, s17  }
0x8e: {  	[smem:$0x3FC4] =	sst s2  }
0x8f: {  	_ = 	snop  }
0x90: {  	s2 =	sld [smem:$0x3FD0];
	(tm) =	ssettm $0x1  }
0x91: {  	s18 =	sld [smem:$0x3FFB];
	_ =	sdelay $0x3  }
0x92: {  	_ =	strace s18  }
0x93: {  	s3 =	sld [smem:$0x3FFC];
	_ =	sdelay $0x3  }
0x94: {  	_ =	strace s3  }
0x95: {  	s3 =	sld [smem:$0x3FFD];
	_ =	sdelay $0x3  }
0x96: {  	_ =	strace s3  }
0x97: {  	_ =	strace $0x8FFFFFFF  }
0x98: {  	s19 =	sld [smem:$0x3FDB];
	_ =	sdelay $0x1  }
0x99: {  	s4 =	simm.s32 $_scs_section_size  }
0x9a: {  	s5 =	simm.s32 $_size__tile_overlayer_lowered;
	s6 =	simm.s32 $_tile_overlayer_lowered  }
0x9b: {  	s22 =	simm.s32 $0x1BFF;
	s21 =	sshll.u32 s6, $0x1;
	s3 =	sadd.s32 s4, s19  }
0x9c: {  	s7 =	simm.s32 $0x0;
	s20 =	sshll.u32 s5, $0x1;
	s5 =	sadd.s32 s21, s3  }
0x9d: {  	[timem:s7], [sflag:s22] =	dma.local [hbm:s5], s20  }
0x9e: {  	_ =	swait.ge [sflag:s22], s20  }
0x9f: {  	s4 =	ssub.s32 $0x0, s20;
	[sflag:s22] =	ssyncset.done $0x0  }
0xa0: {  	[sflag:s22] =	ssyncadd.s32 s4;
	_ =	sdelay $0x1  }
0xa1: {  	s23 =	simm.s32 $0x1B8B  }
0xa2: {  	_ =	swait.ge [sflag:s23], $0x1  }
0xa3: {  	[sflag:s23] =	ssyncset.done $0x0  }
0xa4: {  	s25 =	simm.s32 $0x1B8E;
	s24 =	sld [smem:$0x3FFE];
	[sflag:s23] =	ssyncadd.s32 $0xFFFFFFFF  }
0xa5: {  	s26 =	simm.s32 $execute0_lowered;
	[smem:$0x3FD2] =	sst s25  }
0xa6: {  	s5 =	sshll.u32 s26, $0x1;
	_ =	strace $0x80000049;
	[dreg:$0x1] =	wrdreg $0xFFFFFFFF  }
0xa7: {  	s28 =	simm.s32 $_size_execute0_lowered;
	s3 =	sadd.s32 s3, s5;
	[dreg:$0x0] =	wrdreg $0x0  }
0xa8: {  	s5 =	sshll.u32 s28, $0x1;
	[dreg:$0x2] =	wrdreg s3  }
0xa9: {  	[dreg:$0x3] =	wrdreg s5  }
0xaa: {  	[dreg:$0x4] =	wrdreg $0xC0  }
0xab: {  	_ =	task [dreg:s7], $0x5FFFF  }
0xac: {  	[dreg:$0x1] =	wrdreg $0xFFFFFFFF  }
0xad: {  	[dreg:$0x0] =	wrdreg $0x60  }
0xae: {  	[dreg:$0x2] =	wrdreg s24  }
0xaf: {  	[dreg:$0x3] =	wrdreg s2  }
0xb0: {  	[dreg:$0x4] =	wrdreg $0xA8000  }
0xb1: {  	[dreg:$0x5] =	wrdreg $0x9  }
0xb2: {  	_ =	task.clear_ibuf [dreg:s7], $0x6FFFF;
	_ =	strace $0x90000049  }
0xb3: {  	s29 =	simm.s32 $0x9;
	_ =	strace $0x8000004B  }
0xb4: {  	_ =	swait.ge [sflag:s29], $0x1  }
0xb5: {  	[sflag:s29] =	ssyncadd.s32 $0xFFFFFFFF  }
0xb6: {  	_ =	strace $0x9000004B  }
0xb7: {  	_ =	sfence  }
0xb8: {  	s30 =	sld [smem:$0x0];
	_ =	sdelay $0x2  }
0xb9: {  	s31 =	sshll.u32 s1, $0xD;
	s1 =	sshrl.u32 s1, $0x2  }
0xba: {  	s3 =	sand.u32 $0x4000, s31;
	s1 =	sadd.s32 s1, s30  }
0xbb: {  	s0 =	sor.u32 s3, s0;
	s1 =	sshll.u32 s1, $0x11  }
0xbc: {  	s0 =	sor.u32 s1, s0  }
0xbd: {  	s0 =	sadd.s32 $0x8F2B, s0  }
0xbe: {  	[sflag:s0] =	ssyncadd.remote.s32 $0x1  }
0xbf: {  	_ =	sfence.sel $0xFFFF  }
0xc0: {  	[dreg:$0x0] =	wrdreg $0xFFFFFFFF;
	(pc) =	sbr.abs _section_cstart, $3  }
0xc1: {  	[dreg:$0x1] =	wrdreg $0xFFFFFFFF  }
0xc2: {  	_ =	task.clear_ibuf [dreg:s7], $0x2FFFF;
	_ =	strace $0x9FFFFFFF  }
0xc3: {  	(tm) =	ssettm $0x7FFFFFFF  }
tec
execute0_lowered:
.L_overlay_start_1:
0x0: {  	(tag) =	ssettag $0x1  }
0x1: {  	s1 =	rddreg [dreg:$0x0];
	s3 =	srdreg.scid  }
0x2: {  	s2 =	rddreg [dreg:$0x1];
	s15 =	stileid.u32;
	s4 =	simm.s32 $0x0  }
0x3: {  	s28 =	simm.s32 $0x80;
	s29 =	simm.s32 $0x6800;
	s8 =	smul.u32 $0x2800, s15  }
0x4: {  	s30 =	simm.s32 $0x2800;
	s5 =	sand.u32 $0x1, s3;
	s10 =	smul.u32 $0x13800, s15  }
0x5: {  	s31 =	simm.s32 $0x2;
	s3 =	rddreg [dreg:$0x2];
	s6 =	smul.u32 $0x28000, s5  }
0x6: {  	[smem:$0x7FF] =	sst s4;
	s9 =	smul.u32 $0x138800, s5;
	s13 =	sshll.u32 s5, $0x4  }
0x7: {  	s14 =	ssub.s32 $0x2, s5;
	s5 =	smul.u32 $0xFFFFFB00, s5;
	s6 =	sadd.s32 s8, s6  }
0x8: {  	s11 =	sadd.s32 s10, s9;
	s8 =	sor.u32 s15, s13;
	s10 =	smul.u32 $0x4E000, s15  }
0x9: {  	_ =	strace $0x8000004A;
	s6 =	sshrl.u32 s6, $0x3;
	s13 =	smul.u32 $0xFFFFFFB0, s8  }
0xa: {  	p0 =	seq.s32 s8, $0x1F;
	s12 =	sadd.s32 s6, s1;
	s6 =	sshrl.u32 s11, $0x3  }
0xb: {  	s11 =	sshrl.u32 s14, $0x1;
	s16 =	sshrl.u32 s10, $0x2;
	s1 =	sadd.s32 s6, s1  }
0xc: {  	s14 =	ssub.s32 s14, s11;
	s17 =	sadd.s32 $0x9C4, s13;
	s18 =	sadd.s32 $0x1C00, s12  }
0xd: {  	s6 =	sadd.s32 s16, s3;
	s19 =	sadd.s32 $0xBC00, s12;
	[dreg:$0x4] =	wrdreg s18  }
0xe: {  	[dreg:$0x5] =	wrdreg s19;
	s20 =	sadd.s32 $0x2800, s6;
	s21 =	sadd.s32 $0x5000, s6  }
0xf: {  	s22 =	sadd.s32 $0x7800, s6;
	s11 =	sadd.s32 $0xA000, s6;
	s18 =	smul.u32 $0xFFFFFFB0, s15  }
0x10: {  	s13 =	sadd.s32 $0xC800, s6;
	s15 =	sadd.s32 $0xF000, s6;
	[dreg:$0x6] =	wrdreg s20  }
0x11: {  	s16 =	sadd.s32 $0x11800, s6;
	s19 =	smin.u32 s17, $0x28;
	[dreg:$0x7] =	wrdreg s21  }
0x12: {  	s17 =	smax.u32 s17, $0x28;
	[dreg:$0x8] =	wrdreg s22;
	s19 =	sshrl.u32 s19, $0x1  }
0x13: {  	s20 =	smin.u32 s17, $0x50;
	s22 =	smax.u32 s14, $0x1;
	s5 =	sadd.s32 s5, s18  }
0x14: {  	s17 =	sadd.s32 $0xFFFFFFFF, s19;
	s26 =	sadd.s32 $0xFFFFFFD8, s20;
	s18 =	sadd.s32 $0x1E80, s12  }
0x15: {  	s19 =	sadd.s32 $0xBE80, s12;
	s5 =	sadd.s32 $0x9C4, s5;
	s20 =	sshrl.u32 s26, $0x1  }
.Ltmp0:
0x16: {  	p1 =	seq.s32 s26, $0x0;
	s21 =	smax.u32 s5, $0x28;
	(pc) =	sbr.rel .LBB2_1-.Ltmp0, $4  }
0x17: {  	s26 =	simm.s32 $0x0;
	s24 =	smin.u32 s5, $0x28;
	s23 =	smin.u32 s21, $0x50  }
0x18: {  	s21 =	sadd.s32 $0x15C00, s1;
	s1 =	sshrl.u32 s24, $0x1;
	s25 =	sadd.s32 $0xFFFFFFD8, s23  }
0x19: {  	s20 =	sadd.s32 $0xFFFFFFFF, s20;
	s23 =	ssub.s32 $0x1, s1;
	s5 =	sshrl.u32 s25, $0x1  }
0x1a: {  	v0 =	vimm.f32 $0.0e+00;
	s1 =	simm.s32 $0x1;
	s25 =	simm.s32 $0x3;
	s24 =	smax.u32 s5, $0x1  }
.LBB2_10:
0x1b: {  	s8 =	simm.s32 $0x1  }
.LBB2_13:
0x1c: {  	s9 =	sadd.s32 $0xFFFFFF80, s12;
	[sflag:s25] =	ssyncadd.s32 @p2 $0xFFFFC000  }
0x1d: {  	[tilespmem:s30], [sflag:$0x1] =	stream.indirect.gather [hbm4b:s2+s28], $0x80, s9, s28, $0xb8;
	[tilespmem:$0x1E080] =	vst v63  }
0x1e: {  	_ =	swait.ge [sflag:s31], $0x4000  }
0x1f: {  	[sflag:s31] =	ssyncset.done $0x0  }
0x20: {  	[sflag:s31] =	ssyncadd.s32 $0xFFFFC000  }
0x21: {  	[spmem:s3] =	stream.indirect.scatter.add.f32 [tilespmem:s29], [sflag:$0x3], $0x80, s5, s28, $0xb8;
	[tilespmem:$0x1E080] =	vst v63  }
0x22: {  	_ =	swait.ge [sflag:s25], $0x4000  }
0x23: {  	p2 =	sge.s32 s8, s20;
	[sflag:s25] =	ssyncset.done $0x0  }
0x24: {  	s8 =	simm.s32 @!p2 $0x80;
	s9 =	simm.s32 @!p2 $0x6800;
	[sflag:s25] =	ssyncadd.s32 $0xFFFFC000  }
0x25: {  	[tilespmem:s9], [sflag:$0x2] =	stream.indirect.gather @!p2 [hbm4b:s2+s8], $0x80, s12, s8, $0xb8;
	[tilespmem:$0x1E080] =	vst v63  }
0x26: {  	_ =	swait.ge [sflag:s1], $0x4000  }
0x27: {  	[sflag:s1] =	ssyncset.done $0x0  }
0x28: {  	s14 =	sadd.s32 $0x80, s5;
	[sflag:s1] =	ssyncadd.s32 $0xFFFFC000  }
0x29: {  	[spmem:s3] =	stream.indirect.scatter.add.f32 [tilespmem:s30], [sflag:$0x3], $0x80, s14, s28, $0xb8;
	[tilespmem:$0x1E080] =	vst v63  }
0x2a: {  	_ =	swait.ge [sflag:s25], $0x4000  }
0x2b: {  	[sflag:s25] =	ssyncset.done $0x0  }
0x2c: {  	[sflag:s25] =	ssyncadd.s32 $0xFFFFC000  }
.LBB2_14:
0x2d: {  	s5 =	stileid.u32;
	s26 =	sadd.s32 $0x1, s26  }
0x2e: {  	[bflag:$0x0] =	sbarrier.arrive $0xFFFF;
	s5 =	sshll.u32 s5, $0x6;
	p2 =	sne.s32 s26, s22  }
.Ltmp1:
0x2f: {  	s8 =	sshrl.u32 s6, $0x3;
	s5 =	sor.u32 $0x1C03, s5;
	(pc) =	sbr.rel @!p2 .LBB2_15-.Ltmp1, $4  }
0x30: {  	[hbm:s21], [sflag:s5] =	dma.local [spmem:s8], $0x2800  }
0x31: {  	_ =	swait.ge [sflag:s25], $0x2800  }
0x32: {  	[sflag:s25] =	ssyncset.done $0x0  }
0x33: {  	[sflag:s25] =	ssyncadd.s32 $0xFFFFD800  }
.LBB2_1:
0x34: {  	s5 =	rddreg [dreg:$0x4]  }
0x35: {  	[tilespmem:s4], [sflag:$0x3] =	stream.linear.gather [hbm4b:s5+s4], $0x1400, $0x38;
	[tilespmem:$0x1E080] =	vst v63  }
0x36: {  	_ =	swait.ge [sflag:s25], $0x1400  }
0x37: {  	[sflag:s25] =	ssyncset.done $0x0  }
0x38: {  	s8 =	simm.s32 $0x1400;
	s14 =	rddreg [dreg:$0x5];
	[sflag:s25] =	ssyncadd.s32 $0xFFFFEC00  }
0x39: {  	[tilespmem:s8], [sflag:$0x3] =	stream.linear.gather [hbm4b:s14+s4], $0x1400, $0x38;
	[tilespmem:$0x1E080] =	vst v63  }
0x3a: {  	_ =	swait.ge [sflag:s25], $0x1400  }
0x3b: {  	[sflag:s25] =	ssyncset.done $0x0  }
0x3c: {  	s5 =	simm.s32 $0x0;
	s8 =	simm.s32 $0x200;
	[sflag:s25] =	ssyncadd.s32 $0xFFFFEC00  }
0x3d: {  	[tilespmem:s29], [sflag:$0x2] =	stream.indirect.gather [hbm4b:s2+s28], $0x80, s4, s28, $0xb8;
	[tilespmem:$0x1E080] =	vst v63  }
.LBB2_2:
0x3e: {  	p2 =	sne.s32 s8, $0xFE00;
	[tilespmem:s5+$0x2870] =	vst v0  }
0x3f: {  	[tilespmem:s5+$0x2800] =	vst v0  }
0x40: {  	[tilespmem:s5+$0x2810] =	vst v0  }
.Ltmp2:
0x41: {  	[tilespmem:s5+$0x2820] =	vst v0;
	(pc) =	sbr.rel @p2 .LBB2_2-.Ltmp2, $4  }
0x42: {  	[tilespmem:s5+$0x2830] =	vst v0  }
0x43: {  	[tilespmem:s5+$0x2840] =	vst v0  }
0x44: {  	[tilespmem:s5+$0x2850] =	vst v0  }
0x45: {  	[tilespmem:s5+$0x2860] =	vst v0;
	s5 =	sshra.s32 s8, $0x2;
	s8 =	sadd.s32 $0x200, s8  }
0x46: {  	[tilespmem:s5+$0x2870] =	vst v0  }
0x47: {  	[tilespmem:s5+$0x2800] =	vst v0  }
0x48: {  	[tilespmem:s5+$0x2810] =	vst v0  }
0x49: {  	[tilespmem:s5+$0x2820] =	vst v0  }
0x4a: {  	[tilespmem:s5+$0x2830] =	vst v0  }
0x4b: {  	[tilespmem:s5+$0x2840] =	vst v0  }
0x4c: {  	[tilespmem:s5+$0x2850] =	vst v0  }
0x4d: {  	[tilespmem:s5+$0x2860] =	vst v0  }
0x4e: {  	[spmem:s6] =	stream.linear.scatter [tilespmem:s30], [sflag:$0x3], $0x2800, $0x38;
	[tilespmem:$0x1E080] =	vst v63  }
0x4f: {  	_ =	swait.ge [sflag:s25], $0x2800  }
0x50: {  	[sflag:s25] =	ssyncset.done $0x0  }
0x51: {  	s10 =	rddreg [dreg:$0x6];
	[sflag:s25] =	ssyncadd.s32 $0xFFFFD800  }
0x52: {  	[spmem:s10] =	stream.linear.scatter [tilespmem:s30], [sflag:$0x3], $0x2800, $0x38;
	[tilespmem:$0x1E080] =	vst v63  }
0x53: {  	_ =	swait.ge [sflag:s25], $0x2800  }
0x54: {  	[sflag:s25] =	ssyncset.done $0x0  }
0x55: {  	s12 =	rddreg [dreg:$0x7];
	[sflag:s25] =	ssyncadd.s32 $0xFFFFD800  }
0x56: {  	[spmem:s12] =	stream.linear.scatter [tilespmem:s30], [sflag:$0x3], $0x2800, $0x38;
	[tilespmem:$0x1E080] =	vst v63  }
0x57: {  	_ =	swait.ge [sflag:s25], $0x2800  }
0x58: {  	[sflag:s25] =	ssyncset.done $0x0  }
0x59: {  	s14 =	rddreg [dreg:$0x8];
	[sflag:s25] =	ssyncadd.s32 $0xFFFFD800  }
0x5a: {  	[spmem:s14] =	stream.linear.scatter [tilespmem:s30], [sflag:$0x3], $0x2800, $0x38;
	[tilespmem:$0x1E080] =	vst v63  }
0x5b: {  	_ =	swait.ge [sflag:s25], $0x2800  }
0x5c: {  	[sflag:s25] =	ssyncset.done $0x0  }
0x5d: {  	[sflag:s25] =	ssyncadd.s32 $0xFFFFD800  }
0x5e: {  	[spmem:s11] =	stream.linear.scatter [tilespmem:s30], [sflag:$0x3], $0x2800, $0x38;
	[tilespmem:$0x1E080] =	vst v63  }
0x5f: {  	_ =	swait.ge [sflag:s25], $0x2800  }
0x60: {  	[sflag:s25] =	ssyncset.done $0x0  }
0x61: {  	[sflag:s25] =	ssyncadd.s32 $0xFFFFD800  }
0x62: {  	[spmem:s13] =	stream.linear.scatter [tilespmem:s30], [sflag:$0x3], $0x2800, $0x38;
	[tilespmem:$0x1E080] =	vst v63  }
0x63: {  	_ =	swait.ge [sflag:s25], $0x2800  }
0x64: {  	[sflag:s25] =	ssyncset.done $0x0  }
0x65: {  	[sflag:s25] =	ssyncadd.s32 $0xFFFFD800  }
0x66: {  	[spmem:s15] =	stream.linear.scatter [tilespmem:s30], [sflag:$0x3], $0x2800, $0x38;
	[tilespmem:$0x1E080] =	vst v63  }
0x67: {  	_ =	swait.ge [sflag:s25], $0x2800  }
0x68: {  	[sflag:s25] =	ssyncset.done $0x0  }
0x69: {  	p3 =	sne.s32 s23, $0xFFFFFFFF;
	[sflag:s25] =	ssyncadd.s32 $0xFFFFD800  }
0x6a: {  	[spmem:s16] =	stream.linear.scatter [tilespmem:s30], [sflag:$0x3], $0x2800, $0x38;
	[tilespmem:$0x1E080] =	vst v63  }
.Ltmp3:
0x6b: {  	_ =	swait.ge [sflag:s25], $0x2800;
	(pc) =	sbr.rel @!p3 .LBB2_7-.Ltmp3, $4  }
0x6c: {  	[sflag:s25] =	ssyncset.done $0x0  }
0x6d: {  	[sflag:s25] =	ssyncadd.s32 $0xFFFFD800  }
0x6e: {  	s5 =	simm.s32 $0xFFFFFFFF;
	[bflag:$0x0] =	sbarrier.arrive $0xFFFF  }
0x6f: {  	p2 =	por $0x0, $0x0;
	s12 =	simm.s32 $0x100;
	s14 =	simm.s32 $0x1400  }
0x70: {  	s5 =	simm.s32 $0x80  }
0x71: {  	[tilespmem:s30], [sflag:$0x1] =	stream.indirect.gather [hbm4b:s2+s28], $0x80, s5, s28, $0xb8;
	[tilespmem:$0x1E080] =	vst v63  }
0x72: {  	_ =	swait.ge [sflag:s31], $0x4000  }
0x73: {  	[sflag:s31] =	ssyncset.done $0x0  }
0x74: {  	[sflag:s31] =	ssyncadd.s32 $0xFFFFC000  }
0x75: {  	[spmem:s3] =	stream.indirect.scatter.add.f32 [tilespmem:s29], [sflag:$0x3], $0x80, s14, s28, $0xb8;
	[tilespmem:$0x1E080] =	vst v63  }
0x76: {  	_ =	swait.ge [sflag:s25], $0x4000  }
0x77: {  	[sflag:s25] =	ssyncset.done $0x0  }
0x78: {  	[sflag:s25] =	ssyncadd.s32 $0xFFFFC000  }
0x79: {  	[tilespmem:s29], [sflag:$0x2] =	stream.indirect.gather [hbm4b:s2+s28], $0x80, s12, s28, $0xb8;
	[tilespmem:$0x1E080] =	vst v63  }
0x7a: {  	p3 =	sne.s32 s23, $0xFFFFFFFE;
	_ =	swait.ge [sflag:s1], $0x4000  }
.Ltmp4:
0x7b: {  	[sflag:s1] =	ssyncset.done $0x0;
	(pc) =	sbr.rel @!p3 .LBB2_7-.Ltmp4, $4  }
0x7c: {  	s14 =	simm.s32 $0x1480;
	[sflag:s1] =	ssyncadd.s32 $0xFFFFC000  }
0x7d: {  	[spmem:s3] =	stream.indirect.scatter.add.f32 [tilespmem:s30], [sflag:$0x3], $0x80, s14, s28, $0xb8;
	[tilespmem:$0x1E080] =	vst v63  }
0x7e: {  	p2 =	por $0x1, $0x1;
	s5 =	simm.s32 $0xFFFFFFFE;
	_ =	swait.ge [sflag:s25], $0x4000  }
0x7f: {  	s12 =	simm.s32 $0x200;
	s14 =	simm.s32 $0x1500;
	[sflag:s25] =	ssyncset.done $0x0  }
.LBB2_5:
0x80: {  	s5 =	sadd.s32 $0xFFFFFFFF, s5;
	s0 =	sadd.s32 $0xFFFFFF80, s12;
	[sflag:s25] =	ssyncadd.s32 $0xFFFFC000  }
0x81: {  	[tilespmem:s30], [sflag:$0x1] =	stream.indirect.gather [hbm4b:s2+s28], $0x80, s0, s28, $0xb8;
	[tilespmem:$0x1E080] =	vst v63  }
0x82: {  	p3 =	sne.s32 s23, s5;
	_ =	swait.ge [sflag:s31], $0x4000  }
0x83: {  	[sflag:s31] =	ssyncset.done $0x0  }
0x84: {  	[sflag:s31] =	ssyncadd.s32 $0xFFFFC000  }
0x85: {  	[spmem:s3] =	stream.indirect.scatter.add.f32 [tilespmem:s29], [sflag:$0x3], $0x80, s14, s28, $0xb8;
	[tilespmem:$0x1E080] =	vst v63  }
0x86: {  	_ =	swait.ge [sflag:s25], $0x4000  }
0x87: {  	[sflag:s25] =	ssyncset.done $0x0  }
0x88: {  	[sflag:s25] =	ssyncadd.s32 $0xFFFFC000  }
0x89: {  	[tilespmem:s29], [sflag:$0x2] =	stream.indirect.gather [hbm4b:s2+s28], $0x80, s12, s28, $0xb8;
	[tilespmem:$0x1E080] =	vst v63  }
0x8a: {  	_ =	swait.ge [sflag:s1], $0x4000  }
.Ltmp5:
0x8b: {  	[sflag:s1] =	ssyncset.done $0x0;
	(pc) =	sbr.rel @p3 .LBB2_5-.Ltmp5, $4  }
0x8c: {  	s0 =	sadd.s32 $0x80, s14;
	[sflag:s1] =	ssyncadd.s32 $0xFFFFC000  }
0x8d: {  	[spmem:s3] =	stream.indirect.scatter.add.f32 [tilespmem:s30], [sflag:$0x3], $0x80, s0, s28, $0xb8;
	[tilespmem:$0x1E080] =	vst v63  }
0x8e: {  	s7 =	sadd.s32 $0x100, s14;
	s0 =	sadd.s32 $0x100, s12;
	_ =	swait.ge [sflag:s25], $0x4000  }
0x8f: {  	s14 =	smov.u32 s7;
	s12 =	smov.u32 s0;
	[sflag:s25] =	ssyncset.done $0x0  }
0x90: {  	s12 =	smov.u32 s0;
	s14 =	smov.u32 s7  }
.LBB2_7:
0x91: {  	s8 =	sadd.s32 $0xFFFFFF80, s12;
	[sflag:s25] =	ssyncadd.s32 @p2 $0xFFFFC000  }
0x92: {  	[tilespmem:s30], [sflag:$0x1] =	stream.indirect.gather [hbm4b:s2+s28], $0x80, s8, s28, $0xb8;
	[tilespmem:$0x1E080] =	vst v63  }
0x93: {  	_ =	swait.ge [sflag:s31], $0x4000  }
0x94: {  	[sflag:s31] =	ssyncset.done $0x0  }
0x95: {  	[sflag:s31] =	ssyncadd.s32 $0xFFFFC000  }
0x96: {  	[spmem:s3] =	stream.indirect.scatter.add.f32 [tilespmem:s29], [sflag:$0x3], $0x80, s14, s28, $0xb8;
	[tilespmem:$0x1E080] =	vst v63  }
0x97: {  	_ =	swait.ge [sflag:s25], $0x4000  }
0x98: {  	[sflag:s25] =	ssyncset.done $0x0  }
0x99: {  	[sflag:s25] =	ssyncadd.s32 $0xFFFFC000  }
0x9a: {  	[tilespmem:s29], [sflag:$0x2] =	stream.indirect.gather [hbm4b:s2+s28], $0x80, s12, s28, $0xb8;
	[tilespmem:$0x1E080] =	vst v63  }
0x9b: {  	_ =	swait.ge [sflag:s1], $0x4000  }
0x9c: {  	[sflag:s1] =	ssyncset.done $0x0  }
0x9d: {  	s10 =	sadd.s32 $0x80, s14;
	[sflag:s1] =	ssyncadd.s32 $0xFFFFC000  }
0x9e: {  	[spmem:s3] =	stream.indirect.scatter.add.f32 [tilespmem:s30], [sflag:$0x3], $0x80, s10, s28, $0xb8;
	[tilespmem:$0x1E080] =	vst v63  }
0x9f: {  	_ =	swait.ge [sflag:s25], $0x4000  }
0xa0: {  	[sflag:s25] =	ssyncset.done $0x0  }
0xa1: {  	s9 =	sadd.s32 $0x80, s0;
	[sflag:s25] =	ssyncadd.s32 $0xFFFFC000  }
0xa2: {  	[tilespmem:s30], [sflag:$0x1] =	stream.indirect.gather [hbm4b:s2+s28], $0x80, s9, s28, $0xb8;
	[tilespmem:$0x1E080] =	vst v63  }
0xa3: {  	_ =	swait.ge [sflag:s31], $0x4000  }
0xa4: {  	[sflag:s31] =	ssyncset.done $0x0  }
0xa5: {  	s10 =	sadd.s32 $0x100, s14;
	[sflag:s31] =	ssyncadd.s32 $0xFFFFC000  }
0xa6: {  	[spmem:s3] =	stream.indirect.scatter.add.f32 [tilespmem:s29], [sflag:$0x3], $0x80, s10, s28, $0xb8;
	[tilespmem:$0x1E080] =	vst v63  }
0xa7: {  	s5 =	ssub.s32 $0x0, s5;
	_ =	swait.ge [sflag:s25], $0x4000  }
0xa8: {  	s8 =	sadd.s32 $0x100, s12;
	p2 =	sge.u32 s5, s17;
	[sflag:s25] =	ssyncset.done $0x0  }
0xa9: {  	s5 =	simm.s32 @!p2 $0x80;
	s12 =	simm.s32 @!p2 $0x6800;
	[sflag:s25] =	ssyncadd.s32 $0xFFFFC000  }
0xaa: {  	[tilespmem:s12], [sflag:$0x2] =	stream.indirect.gather @!p2 [hbm4b:s2+s5], $0x80, s8, s5, $0xb8;
	[tilespmem:$0x1E080] =	vst v63  }
0xab: {  	_ =	swait.ge [sflag:s1], $0x4000  }
0xac: {  	[sflag:s1] =	ssyncset.done $0x0  }
0xad: {  	s14 =	sadd.s32 $0x180, s7;
	[sflag:s1] =	ssyncadd.s32 $0xFFFFC000  }
0xae: {  	[spmem:s3] =	stream.indirect.scatter.add.f32 [tilespmem:s30], [sflag:$0x3], $0x80, s14, s28, $0xb8;
	[tilespmem:$0x1E080] =	vst v63  }
0xaf: {  	_ =	swait.ge [sflag:s25], $0x4000  }
0xb0: {  	[sflag:s25] =	ssyncset.done $0x0  }
0xb1: {  	s5 =	simm.s32 @!p0 $0x0;
	s8 =	simm.s32 @!p0 $0x3;
	[sflag:s25] =	ssyncadd.s32 $0xFFFFC000  }
0xb2: {  	[tilespmem:s5], [sflag:$0x3] =	stream.linear.gather @!p0 [hbm4b:s18+s5], $0x1400, $0x38;
	[tilespmem:$0x1E080] =	vst v63  }
0xb3: {  	_ =	swait.ge @!p0 [sflag:s8], $0x1400  }
0xb4: {  	[sflag:s8] =	ssyncset.done @!p0 $0x0  }
0xb5: {  	s12 =	simm.s32 @!p0 $0x1400;
	[sflag:s8] =	ssyncadd.s32 @!p0 $0xFFFFEC00  }
0xb6: {  	[tilespmem:s12], [sflag:$0x3] =	stream.linear.gather @!p0 [hbm4b:s19+s5], $0x1400, $0x38;
	[tilespmem:$0x1E080] =	vst v63  }
.Ltmp6:
0xb7: {  	_ = 	snop;
	(pc) =	sbr.rel @p1 .LBB2_14-.Ltmp6, $4  }
0xb8: {  	_ =	swait.ge @!p0 [sflag:s8], $0x1400  }
0xb9: {  	[sflag:s8] =	ssyncset.done @!p0 $0x0  }
0xba: {  	s12 =	simm.s32 @!p0 $0x6800;
	[sflag:s8] =	ssyncadd.s32 @!p0 $0xFFFFEC00;
	s8 =	simm.s32 @!p0 $0x80  }
0xbb: {  	[tilespmem:s12], [sflag:$0x2] =	stream.indirect.gather @!p0 [hbm4b:s2+s8], $0x80, s5, s8, $0xb8;
	[tilespmem:$0x1E080] =	vst v63  }
0xbc: {  	p3 =	sne.s32 s24, $0x1  }
.Ltmp7:
0xbd: {  	_ = 	snop;
	(pc) =	sbr.rel @!p3 .LBB2_13-.Ltmp7, $3  }
0xbe: {  	_ =	sdelay $0x1  }
0xbf: {  	s8 =	simm.s32 $0x0;
	s12 =	simm.s32 $0x100  }
0xc0: {  	s5 =	simm.s32 $0x1400;
	s14 =	simm.s32 $0x1;
	p2 =	por $0x0, $0x0  }
0xc1: {  	s8 =	simm.s32 $0x80  }
0xc2: {  	[tilespmem:s30], [sflag:$0x1] =	stream.indirect.gather [hbm4b:s2+s28], $0x80, s8, s28, $0xb8;
	[tilespmem:$0x1E080] =	vst v63  }
0xc3: {  	_ =	swait.ge [sflag:s31], $0x4000  }
0xc4: {  	[sflag:s31] =	ssyncset.done $0x0  }
0xc5: {  	[sflag:s31] =	ssyncadd.s32 $0xFFFFC000  }
0xc6: {  	[spmem:s3] =	stream.indirect.scatter.add.f32 [tilespmem:s29], [sflag:$0x3], $0x80, s5, s28, $0xb8;
	[tilespmem:$0x1E080] =	vst v63  }
0xc7: {  	_ =	swait.ge [sflag:s25], $0x4000  }
0xc8: {  	p2 =	sle.s32 s20, $0x0;
	[sflag:s25] =	ssyncset.done $0x0  }
0xc9: {  	s8 =	simm.s32 @!p2 $0x6800;
	s5 =	simm.s32 @!p2 $0x80;
	[sflag:s25] =	ssyncadd.s32 $0xFFFFC000  }
0xca: {  	[tilespmem:s8], [sflag:$0x2] =	stream.indirect.gather @!p2 [hbm4b:s2+s5], $0x80, s12, s5, $0xb8;
	[tilespmem:$0x1E080] =	vst v63  }
0xcb: {  	p3 =	sne.s32 s24, $0x2;
	_ =	swait.ge [sflag:s1], $0x4000  }
.Ltmp8:
0xcc: {  	[sflag:s1] =	ssyncset.done $0x0;
	(pc) =	sbr.rel @!p3 .LBB2_10-.Ltmp8, $4  }
0xcd: {  	s12 =	simm.s32 $0x1480;
	[sflag:s1] =	ssyncadd.s32 $0xFFFFC000  }
0xce: {  	[spmem:s3] =	stream.indirect.scatter.add.f32 [tilespmem:s30], [sflag:$0x3], $0x80, s12, s28, $0xb8;
	[tilespmem:$0x1E080] =	vst v63  }
0xcf: {  	s8 =	simm.s32 $0x2;
	s5 =	simm.s32 $0x1500;
	_ =	swait.ge [sflag:s25], $0x4000  }
0xd0: {  	p2 =	por $0x1, $0x1;
	s12 =	simm.s32 $0x200;
	[sflag:s25] =	ssyncset.done $0x0  }
.LBB2_11:
0xd1: {  	s9 =	sadd.s32 $0xFFFFFF80, s12  }
0xd2: {  	[sflag:s25] =	ssyncadd.s32 $0xFFFFC000;
	s10 =	smov.u32 s8;
	s8 =	sadd.s32 $0x1, s8  }
0xd3: {  	[tilespmem:s30], [sflag:$0x1] =	stream.indirect.gather [hbm4b:s2+s28], $0x80, s9, s28, $0xb8;
	[tilespmem:$0x1E080] =	vst v63  }
0xd4: {  	p3 =	sne.s32 s24, s8;
	_ =	swait.ge [sflag:s31], $0x4000  }
0xd5: {  	[sflag:s31] =	ssyncset.done $0x0  }
0xd6: {  	[sflag:s31] =	ssyncadd.s32 $0xFFFFC000  }
0xd7: {  	[spmem:s3] =	stream.indirect.scatter.add.f32 [tilespmem:s29], [sflag:$0x3], $0x80, s5, s28, $0xb8;
	[tilespmem:$0x1E080] =	vst v63  }
0xd8: {  	_ =	swait.ge [sflag:s25], $0x4000  }
0xd9: {  	p4 =	sge.s32 s14, s20;
	s14 =	smov.u32 s10;
	[sflag:s25] =	ssyncset.done $0x0  }
0xda: {  	s9 =	simm.s32 @!p4 $0x80;
	s10 =	simm.s32 @!p4 $0x6800;
	[sflag:s25] =	ssyncadd.s32 $0xFFFFC000  }
0xdb: {  	[tilespmem:s10], [sflag:$0x2] =	stream.indirect.gather @!p4 [hbm4b:s2+s9], $0x80, s12, s9, $0xb8;
	[tilespmem:$0x1E080] =	vst v63  }
0xdc: {  	_ =	swait.ge [sflag:s1], $0x4000  }
.Ltmp9:
0xdd: {  	[sflag:s1] =	ssyncset.done $0x0;
	(pc) =	sbr.rel @p3 .LBB2_11-.Ltmp9, $4  }
0xde: {  	s9 =	sadd.s32 $0x80, s5;
	[sflag:s1] =	ssyncadd.s32 $0xFFFFC000  }
0xdf: {  	[spmem:s3] =	stream.indirect.scatter.add.f32 [tilespmem:s30], [sflag:$0x3], $0x80, s9, s28, $0xb8;
	[tilespmem:$0x1E080] =	vst v63  }
0xe0: {  	_ =	swait.ge [sflag:s25], $0x4000  }
0xe1: {  	s12 =	sadd.s32 $0x100, s12;
	s5 =	sadd.s32 $0x100, s5;
	[sflag:s25] =	ssyncset.done $0x0  }
.Ltmp10:
0xe2: {  	(pc) =	sbr.rel .LBB2_13-.Ltmp10, $2  }
0xe3: {  	_ =	sdelay $0x2  }
0xe4: {  	s8 =	smov.u32 s14  }
.LBB2_15:
0xe5: {  	_ =	sfence.sel $0x180000  }
0xe6: {  	[bflag:$0x0] =	sbarrier.arrive $0xFFFF  }
0xe7: {  	_ =	strace $0x9000004A  }
0xe8: {  	s0 =	stileid.u32;
	[bflag:$0x2] =	sbarrier.arrive $0xFFFF  }
0xe9: {  	p0 =	sne.s32 s0, $0x0;
	s0 =	rddreg [dreg:$0x3]  }
0xea: {  	s0 =	sadd.s32 @!p0 $0x100000, s0  }
0xeb: {  	[sflag:s0] =	ssyncadd.tile.s32 @!p0 $0x1;
	_ =	shalt  }
.Lfunc_end2:
_tile_overlayer_lowered:
.L_overlay_start_2:
0xec: {  	(tag) =	ssettag $0x2  }
0xed: {  	s0 =	rddreg [dreg:$0x0];
	s2 =	stileid.u32  }
0xee: {  	s1 =	rddreg [dreg:$0x1];
	p0 =	sne.s32 s2, $0x0  }
0xef: {  	s3 =	rddreg [dreg:$0x2];
	[bflag:$0x3] =	sbarrier.arrive $0xFFFF;
	s2 =	simm.s32 @!p0 $0x1C03  }
0xf0: {  	[timem:s3], [sflag:s2] =	dma.local @!p0 [hbm:s0], s1  }
0xf1: {  	s0 =	simm.s32 @!p0 $0x3  }
0xf2: {  	_ =	swait.ge @!p0 [sflag:s0], s1  }
0xf3: {  	s1 =	ssub.s32 @!p0 $0x0, s1;
	[sflag:s0] =	ssyncset.done @!p0 $0x0  }
0xf4: {  	[sflag:s0] =	ssyncadd.s32 @!p0 s1  }
0xf5: {  	[bflag:$0x3] =	sbarrier.arrive $0xFFFF  }
0xf6: {  	_ =	shalt  }

</sc_bundles>
